<compile_context>
chip_gen: v7x
topology: tpu7x:2x2x1
jax: 0.10.2.dev20260603
libtpu: 0.0.44.dev20260713+nightly
codegen_flags: <defaults>
</compile_context>

<pallas_src>
import jax
import jax.numpy as jnp
from jax import lax
from jax.experimental import pallas as pl
from jax.experimental.pallas import tpu as pltpu
from jax.experimental.pallas import tpu_sc as plsc

B, L, H = 16, 4096, 768
MAX_LABEL = 24
ROWS = 32
NB_SC = 4
NB_TC = B - NB_SC
NC, NS = 2, 16
NW = NC * NS
WPB = NW // NB_SC
TOK_W = (NB_SC * L) // NW
SC_CH = 64
NCH = TOK_W // SC_CH
TC_CH = 2048
TC_NCH = L // TC_CH



def _sc_body(hs_hbm, lm_hbm, z_hbm, sums_hbm, cnts_hbm,
             acc_v, cacc_v, lm_v, rows_v, sem):
    c = lax.axis_index("c")
    s = lax.axis_index("s")
    wid = c * NS + s
    base = NB_TC * L + wid * TOK_W

    pltpu.sync_copy(z_hbm, acc_v)
    zero16 = jnp.zeros((16,), jnp.float32)
    cacc_v[pl.ds(0, 16)] = zero16
    cacc_v[pl.ds(16, 16)] = zero16
    pltpu.sync_copy(lm_hbm.at[pl.ds(base, TOK_W)], lm_v.at[pl.ds(0, TOK_W)])

    ones16 = jnp.ones((16,), jnp.float32)

    def start_gather(i, buf):
        pltpu.async_copy(hs_hbm.at[pl.ds(base + i * SC_CH, SC_CH)],
                         rows_v.at[buf], sem)

    def drain(buf):
        pltpu.make_async_copy(hs_hbm.at[pl.ds(0, SC_CH)],
                              rows_v.at[buf], sem).wait()

    start_gather(0, 0)
    start_gather(1, 1)

    @pl.loop(0, NCH, step=2)
    def _chunks(i):
        for b in range(2):
            drain(b)
            chunk0 = i * SC_CH + b * SC_CH
            for g in range(SC_CH // 16):
                lab16 = lm_v[pl.ds(chunk0 + g * 16, 16)]
                plsc.addupdate_scatter(cacc_v, [lab16], ones16)

            @pl.loop(0, SC_CH)
            def _tok(t):
                rbase = lm_v[pl.ds(chunk0 + t, 16)][0] * H

                @plsc.parallel_loop(0, H, step=16, unroll=8)
                def _col(j):
                    vals = rows_v[b, t, pl.ds(j, 16)]
                    plsc.addupdate(acc_v.at[pl.ds(rbase + j, 16)], vals)

            @pl.when(i + b + 2 < NCH)
            def _():
                start_gather(i + b + 2, b)

    plsc.subcore_barrier()
    pltpu.sync_copy(acc_v, sums_hbm.at[wid])
    pltpu.sync_copy(cacc_v, cnts_hbm.at[wid])


def _sc_segment_sums(hs_flat, lm_flat):
    mesh = plsc.VectorSubcoreMesh(core_axis_name="c", subcore_axis_name="s")
    zeros_acc = jnp.zeros((ROWS * H,), jnp.float32)
    f = pl.kernel(
        _sc_body,
        out_type=[
            jax.ShapeDtypeStruct((NW, ROWS * H), jnp.float32),
            jax.ShapeDtypeStruct((NW, ROWS), jnp.float32),
        ],
        mesh=mesh,
        compiler_params=pltpu.CompilerParams(needs_layout_passes=False),
        scratch_types=[
            pltpu.VMEM((ROWS * H,), jnp.float32),
            pltpu.VMEM((ROWS,), jnp.float32),
            pltpu.VMEM((TOK_W + 16,), jnp.int32),
            pltpu.VMEM((2, SC_CH, H), jnp.float32),
            pltpu.SemaphoreType.DMA,
        ],
    )
    return f(hs_flat, lm_flat, zeros_acc)



def _tc_body(lm_ref, hs_ref, sums_ref, counts_ref):
    c = pl.program_id(1)
    labels = lm_ref[0, 0]
    rows = jax.lax.broadcasted_iota(jnp.int32, (ROWS, TC_CH), 0)
    oh = (labels == rows).astype(jnp.float32)
    contrib = jax.lax.dot(oh, hs_ref[0],
                          precision=jax.lax.Precision.DEFAULT,
                          preferred_element_type=jnp.float32)
    cnt = jnp.broadcast_to(jnp.sum(oh, axis=1)[:, None], (ROWS, 128))

    @pl.when(c == 0)
    def _():
        sums_ref[0] = contrib
        counts_ref[0] = cnt

    @pl.when(c != 0)
    def _():
        sums_ref[0] += contrib
        counts_ref[0] += cnt


def _tc_segment_sums(hidden_tc, lmask_tc):
    lm3 = lmask_tc.astype(jnp.int32).reshape(NB_TC, TC_NCH, 1, TC_CH)
    return pl.pallas_call(
        _tc_body,
        grid=(NB_TC, TC_NCH),
        in_specs=[
            pl.BlockSpec((1, 1, 1, TC_CH), lambda b, c: (b, c, 0, 0)),
            pl.BlockSpec((1, TC_CH, H), lambda b, c: (b, c, 0)),
        ],
        out_specs=[
            pl.BlockSpec((1, ROWS, H), lambda b, c: (b, 0, 0)),
            pl.BlockSpec((1, ROWS, 128), lambda b, c: (b, 0, 0)),
        ],
        out_shape=[
            jax.ShapeDtypeStruct((NB_TC, ROWS, H), jnp.float32),
            jax.ShapeDtypeStruct((NB_TC, ROWS, 128), jnp.float32),
        ],
    )(lm3, hidden_tc)



def _fin_body(ptc_ref, ctc_ref, psc_ref, csc_ref, w_ref, b_ref,
              out_ref, valid_ref):
    psc = jnp.sum(psc_ref[...], axis=1)
    psc = psc.reshape(NB_SC * ROWS, H)
    csc = jnp.sum(csc_ref[...], axis=1, keepdims=True)
    sums = jnp.concatenate([ptc_ref[...], psc], axis=0)
    cnt = jnp.concatenate([ctc_ref[...][:, 0:1], csc], axis=0)
    valid = (cnt > 0).astype(jnp.float32)
    mean = sums / jnp.maximum(cnt, 1.0)
    proj = jax.lax.dot(mean, w_ref[...],
                       precision=jax.lax.Precision.DEFAULT,
                       preferred_element_type=jnp.float32) + b_ref[...]
    out_ref[...] = proj * valid
    valid_ref[...] = jnp.broadcast_to(valid, (B * ROWS, 128))


def _finish(ptc, ctc, psc, csc, W_label, b_label):
    return pl.pallas_call(
        _fin_body,
        out_shape=[
            jax.ShapeDtypeStruct((B * ROWS, H), jnp.float32),
            jax.ShapeDtypeStruct((B * ROWS, 128), jnp.float32),
        ],
    )(ptc, ctc, psc, csc, W_label, b_label.reshape(1, H))


def kernel(hidden_states, lmask, input_ids, attention_mask, W_label, b_label):
    hs_flat = hidden_states.reshape(B * L, H)
    lm_flat = lmask.astype(jnp.int32).reshape(B * L)
    sc_sums, sc_cnts = _sc_segment_sums(hs_flat, lm_flat)
    tc_sums, tc_cnts = _tc_segment_sums(hidden_states[:NB_TC], lmask[:NB_TC])
    out, valid = _finish(tc_sums.reshape(NB_TC * ROWS, H),
                         tc_cnts.reshape(NB_TC * ROWS, 128),
                         sc_sums.reshape(NB_SC, WPB, ROWS, H),
                         sc_cnts.reshape(NB_SC, WPB, ROWS)
                                .transpose(0, 2, 1).reshape(NB_SC * ROWS, WPB),
                         W_label, b_label)
    out3 = out.reshape(B, ROWS, H)[:, 1:MAX_LABEL + 1, :]
    aggregated = out3.reshape(B * MAX_LABEL, H)
    valid_mask = (valid.reshape(B, ROWS, 128)[:, 1:MAX_LABEL + 1, 0] > 0
                  ).reshape(B * MAX_LABEL)
    all_batch_ids = jnp.repeat(jnp.arange(B), MAX_LABEL)
    all_label_ids = jnp.tile(jnp.arange(1, MAX_LABEL + 1), B)
    return aggregated, all_batch_ids, all_label_ids, valid_mask

# --- scband reference (transcript-rebuilt; emitter-appended) ---
"""Pipeline reference for scband-label-aggregator-46411416600869 (READ-ONLY COPY).

The authoritative reference and input builder live on the scoring server;
editing this copy changes nothing except your own understanding.
"""

import jax, jax.numpy as jnp
import numpy as np

B, L, H, D = 16, 4096, 768, 768

def setup_inputs(seed: int = 0) -> dict:
    key = jax.random.key(seed)
    k1, k2, k3, k4 = jax.random.split(key, 4)
    hidden_states = jax.random.normal(k1, (B, L, H), dtype=jnp.float32)
    lmask = jax.random.randint(k2, (B, L), 0, 25)
    # ensure max label id is deterministic (=24)
    lmask = lmask.at[0, 0].set(24)
    input_ids = jax.random.randint(k3, (B, L), 0, 30522)
    attention_mask = jnp.ones((B, L), dtype=jnp.int32)
    W_label = jax.random.normal(k4, (H, D), dtype=jnp.float32) * 0.02
    b_label = jnp.zeros((D,), dtype=jnp.float32)
    return {"hidden_states": hidden_states, "lmask": lmask, "input_ids": input_ids,
            "attention_mask": attention_mask, "W_label": W_label, "b_label": b_label}

def reference(hidden_states, lmask, input_ids, attention_mask, W_label, b_label):
    # LabelAggregator.aggregate_labels, non-LAB-token path (use_lab_token_for_labels=False).
    # Dropout is identity in eval mode. Boolean-mask gather is reformulated as a
    # masked scatter-add (index_add_) to the (batch, label_id) slot grid; identical math.
    Bs, Ls, Hs = hidden_states.shape
    max_label_id = 24
    num_slots = Bs * max_label_id
    # label_projector applied to all tokens (only masked ones contribute)
    label_hidden = hidden_states.reshape(Bs * Ls, Hs) @ W_label + b_label
    Dp = label_hidden.shape[-1]
    flat_lmask = lmask.reshape(-1)
    batch_ids = jnp.repeat(jnp.arange(Bs), Ls)
    is_label = flat_lmask > 0
    flat_indices = jnp.where(is_label, batch_ids * max_label_id + (flat_lmask - 1), num_slots)
    w = is_label.astype(jnp.float32)
    aggregated = jnp.zeros((num_slots + 1, Dp), dtype=jnp.float32).at[flat_indices].add(label_hidden * w[:, None])[:num_slots]
    counts = jnp.zeros((num_slots + 1,), dtype=jnp.float32).at[flat_indices].add(w)[:num_slots]
    valid_mask = counts > 0
    aggregated_labels = (aggregated / jnp.maximum(counts, 1.0)[:, None]) * valid_mask[:, None].astype(jnp.float32)
    all_batch_ids = jnp.repeat(jnp.arange(Bs), max_label_id)
    all_label_ids = jnp.tile(jnp.arange(1, max_label_id + 1), Bs)
    return aggregated_labels, all_batch_ids, all_label_ids, valid_mask

if __name__ == "__main__":
    import jax
    _d = setup_inputs()
    print(jax.jit(kernel)(*tuple(_d.values())))

</pallas_src>

<mosaic_0001>
#map = affine_map<(d0, d1) -> (0, 0)>
#map1 = affine_map<(d0, d1) -> (0)>
module attributes {stable_mosaic.version = 14 : i64} {
  func.func @_sc_body(%arg0: i32, %arg1: i32, %arg2: memref<65536x768xf32, #tpu.memory_space<hbm>>, %arg3: memref<65536xi32, #tpu.memory_space<hbm>>, %arg4: memref<24576xf32, #tpu.memory_space<hbm>>, %arg5: memref<32x24576xf32, #tpu.memory_space<hbm>>, %arg6: memref<32x32xf32, #tpu.memory_space<hbm>>, %arg7: memref<24576xf32, #tpu.memory_space<vmem>>, %arg8: memref<32xf32, #tpu.memory_space<vmem>>, %arg9: memref<528xi32, #tpu.memory_space<vmem>>, %arg10: memref<2x64x768xf32, #tpu.memory_space<vmem>>, %arg11: memref<!tpu.dma_semaphore, #tpu.memory_space<semaphore_mem>>) attributes {dimension_semantics = [#tpu.dimension_semantics<core_parallel>, #tpu.dimension_semantics<subcore_parallel>], iteration_bounds = array<i64: 2, 16>, scalar_prefetch = 0 : i64, scratch_operands = 5 : i64, tpu.core_type = #tpu.core_type<sc_vector_subcore>, window_params = [{transform_indices = #map}, {transform_indices = #map1}, {transform_indices = #map1}, {transform_indices = #map}, {transform_indices = #map}]} {
    %mul3A = arith.constant 16 : i32
    %mul3A_0 = arith.muli %arg0, %mul3A : i32
    %add3A = arith.addi %mul3A_0, %arg1 : i32
    %mul3A_1 = arith.constant 512 : i32
    %mul3A_2 = arith.muli %add3A, %mul3A_1 : i32
    %add3A_3 = arith.constant 49152 : i32
    %add3A_4 = arith.addi %add3A_3, %mul3A_2 : i32
    "tpu.region"() ({
      %run_scoped3A = tpu.sem_alloc : memref<!tpu.dma_semaphore, #tpu.memory_space<semaphore_mem>>
      tpu.enqueue_dma source(%arg4 : memref<24576xf32, #tpu.memory_space<hbm>>) target(%arg7 : memref<24576xf32, #tpu.memory_space<vmem>>) target_semaphore(%run_scoped3A : memref<!tpu.dma_semaphore, #tpu.memory_space<semaphore_mem>>)
      tpu.wait_dma2 semaphore(%run_scoped3A : memref<!tpu.dma_semaphore, #tpu.memory_space<semaphore_mem>>) src(%arg4 : memref<24576xf32, #tpu.memory_space<hbm>>) dst(%arg7 : memref<24576xf32, #tpu.memory_space<vmem>>)
      tpu.yield
    }) : () -> ()
    %broadcast_in_dim3A = arith.constant 0.000000e+00 : f32
    %broadcast_in_dim3A_5 = vector.broadcast %broadcast_in_dim3A : f32 to vector<16xf32>
    %swap3A = arith.constant 0 : index
    %swap3A_6 = tpu.vector_load %arg8[%swap3A] {strides = array<i32>} : memref<32xf32, #tpu.memory_space<vmem>>, vector<16xf32>,
    tpu.vector_store %arg8[%swap3A], %broadcast_in_dim3A_5 {strides = array<i32>} : memref<32xf32, #tpu.memory_space<vmem>>, vector<16xf32>,
    %swap3A_7 = arith.constant 16 : index
    %swap3A_8 = tpu.vector_load %arg8[%swap3A_7] {strides = array<i32>} : memref<32xf32, #tpu.memory_space<vmem>>, vector<16xf32>,
    tpu.vector_store %arg8[%swap3A_7], %broadcast_in_dim3A_5 {strides = array<i32>} : memref<32xf32, #tpu.memory_space<vmem>>, vector<16xf32>,
    "tpu.region"() ({
      %run_scoped3A = tpu.sem_alloc : memref<!tpu.dma_semaphore, #tpu.memory_space<semaphore_mem>>
      %dma_start3A_44 = arith.constant 0 : i32
      %dma_start3A_45 = tpu.memref_slice %arg9[%dma_start3A_44] : memref<528xi32, #tpu.memory_space<vmem>> -> memref<512xi32, #tpu.memory_space<vmem>>
      %dma_start3A_46 = tpu.memref_slice %arg3[%add3A_4] : memref<65536xi32, #tpu.memory_space<hbm>> -> memref<512xi32, #tpu.memory_space<hbm>>
      %dma_start3A_47 = arith.constant 0 : i32
      %dma_start3A_48 = tpu.memref_slice %arg9[%dma_start3A_47] : memref<528xi32, #tpu.memory_space<vmem>> -> memref<512xi32, #tpu.memory_space<vmem>>
      %dma_start3A_49 = tpu.memref_slice %arg3[%add3A_4] : memref<65536xi32, #tpu.memory_space<hbm>> -> memref<512xi32, #tpu.memory_space<hbm>>
      tpu.enqueue_dma source(%dma_start3A_49 : memref<512xi32, #tpu.memory_space<hbm>>) target(%dma_start3A_48 : memref<512xi32, #tpu.memory_space<vmem>>) target_semaphore(%run_scoped3A : memref<!tpu.dma_semaphore, #tpu.memory_space<semaphore_mem>>)
      %dma_wait3A = arith.constant 0 : i32
      %dma_wait3A_50 = tpu.memref_slice %arg9[%dma_wait3A] : memref<528xi32, #tpu.memory_space<vmem>> -> memref<512xi32, #tpu.memory_space<vmem>>
      %dma_wait3A_51 = tpu.memref_slice %arg3[%add3A_4] : memref<65536xi32, #tpu.memory_space<hbm>> -> memref<512xi32, #tpu.memory_space<hbm>>
      %dma_wait3A_52 = arith.constant 0 : i32
      %dma_wait3A_53 = tpu.memref_slice %arg9[%dma_wait3A_52] : memref<528xi32, #tpu.memory_space<vmem>> -> memref<512xi32, #tpu.memory_space<vmem>>
      %dma_wait3A_54 = tpu.memref_slice %arg3[%add3A_4] : memref<65536xi32, #tpu.memory_space<hbm>> -> memref<512xi32, #tpu.memory_space<hbm>>
      tpu.wait_dma2 semaphore(%run_scoped3A : memref<!tpu.dma_semaphore, #tpu.memory_space<semaphore_mem>>) src(%dma_wait3A_54 : memref<512xi32, #tpu.memory_space<hbm>>) dst(%dma_wait3A_53 : memref<512xi32, #tpu.memory_space<vmem>>)
      tpu.yield
    }) : () -> ()
    %broadcast_in_dim3A_9 = arith.constant 1.000000e+00 : f32
    %broadcast_in_dim3A_10 = vector.broadcast %broadcast_in_dim3A_9 : f32 to vector<16xf32>
    %add3A_11 = arith.constant 0 : i32
    %add3A_12 = arith.addi %add3A_4, %add3A_11 : i32
    %dma_start3A = arith.constant 0 : i32
    %dma_start3A_13 = arith.constant 0 : i32
    %dma_start3A_14 = arith.constant 0 : i32
    %dma_start3A_15 = tpu.memref_slice %arg10[%dma_start3A, %dma_start3A_13, %dma_start3A_14] : memref<2x64x768xf32, #tpu.memory_space<vmem>> -> memref<1x64x768xf32, #tpu.memory_space<vmem>>
    %dma_start3A_16 = tpu.memref_squeeze %dma_start3A_15 : memref<1x64x768xf32, #tpu.memory_space<vmem>> -> memref<64x768xf32, #tpu.memory_space<vmem>>
    %dma_start3A_17 = arith.constant 0 : i32
    %dma_start3A_18 = tpu.memref_slice %arg2[%add3A_12, %dma_start3A_17] : memref<65536x768xf32, #tpu.memory_space<hbm>> -> memref<64x768xf32, #tpu.memory_space<hbm>>
    %dma_start3A_19 = arith.constant 0 : i32
    %dma_start3A_20 = arith.constant 0 : i32
    %dma_start3A_21 = tpu.memref_slice %arg10[%dma_start3A, %dma_start3A_19, %dma_start3A_20] : memref<2x64x768xf32, #tpu.memory_space<vmem>> -> memref<1x64x768xf32, #tpu.memory_space<vmem>>
    %dma_start3A_22 = tpu.memref_squeeze %dma_start3A_21 : memref<1x64x768xf32, #tpu.memory_space<vmem>> -> memref<64x768xf32, #tpu.memory_space<vmem>>
    %dma_start3A_23 = arith.constant 0 : i32
    %dma_start3A_24 = tpu.memref_slice %arg2[%add3A_12, %dma_start3A_23] : memref<65536x768xf32, #tpu.memory_space<hbm>> -> memref<64x768xf32, #tpu.memory_space<hbm>>
    tpu.enqueue_dma source(%dma_start3A_24 : memref<64x768xf32, #tpu.memory_space<hbm>>) target(%dma_start3A_22 : memref<64x768xf32, #tpu.memory_space<vmem>>) target_semaphore(%arg11 : memref<!tpu.dma_semaphore, #tpu.memory_space<semaphore_mem>>)
    %add3A_25 = arith.constant 64 : i32
    %add3A_26 = arith.addi %add3A_4, %add3A_25 : i32
    %dma_start3A_27 = arith.constant 1 : i32
    %dma_start3A_28 = arith.constant 0 : i32
    %dma_start3A_29 = arith.constant 0 : i32
    %dma_start3A_30 = tpu.memref_slice %arg10[%dma_start3A_27, %dma_start3A_28, %dma_start3A_29] : memref<2x64x768xf32, #tpu.memory_space<vmem>> -> memref<1x64x768xf32, #tpu.memory_space<vmem>>
    %dma_start3A_31 = tpu.memref_squeeze %dma_start3A_30 : memref<1x64x768xf32, #tpu.memory_space<vmem>> -> memref<64x768xf32, #tpu.memory_space<vmem>>
    %dma_start3A_32 = arith.constant 0 : i32
    %dma_start3A_33 = tpu.memref_slice %arg2[%add3A_26, %dma_start3A_32] : memref<65536x768xf32, #tpu.memory_space<hbm>> -> memref<64x768xf32, #tpu.memory_space<hbm>>
    %dma_start3A_34 = arith.constant 0 : i32
    %dma_start3A_35 = arith.constant 0 : i32
    %dma_start3A_36 = tpu.memref_slice %arg10[%dma_start3A_27, %dma_start3A_34, %dma_start3A_35] : memref<2x64x768xf32, #tpu.memory_space<vmem>> -> memref<1x64x768xf32, #tpu.memory_space<vmem>>
    %dma_start3A_37 = tpu.memref_squeeze %dma_start3A_36 : memref<1x64x768xf32, #tpu.memory_space<vmem>> -> memref<64x768xf32, #tpu.memory_space<vmem>>
    %dma_start3A_38 = arith.constant 0 : i32
    %dma_start3A_39 = tpu.memref_slice %arg2[%add3A_26, %dma_start3A_38] : memref<65536x768xf32, #tpu.memory_space<hbm>> -> memref<64x768xf32, #tpu.memory_space<hbm>>
    tpu.enqueue_dma source(%dma_start3A_39 : memref<64x768xf32, #tpu.memory_space<hbm>>) target(%dma_start3A_37 : memref<64x768xf32, #tpu.memory_space<vmem>>) target_semaphore(%arg11 : memref<!tpu.dma_semaphore, #tpu.memory_space<semaphore_mem>>)
    %scan3A = arith.constant 0 : i32
    %scan3A_40 = arith.constant 4 : i32
    %scan3A_41 = arith.addi %scan3A, %scan3A_40 : i32
    %scan3A_42 = arith.constant 1 : i32
    scf.for %scan3A_44 = %scan3A to %scan3A_41 step %scan3A_42  : i32 {
      %mul3A_45 = arith.constant 2 : i32
      %mul3A_46 = arith.muli %scan3A_44, %mul3A_45 : i32
      %add3A_47 = arith.constant 0 : i32
      %add3A_48 = arith.addi %add3A_47, %mul3A_46 : i32
      %dma_wait3A = arith.constant 0 : i32
      %dma_wait3A_49 = arith.constant 0 : i32
      %dma_wait3A_50 = arith.constant 0 : i32
      %dma_wait3A_51 = tpu.memref_slice %arg10[%dma_wait3A, %dma_wait3A_49, %dma_wait3A_50] : memref<2x64x768xf32, #tpu.memory_space<vmem>> -> memref<1x64x768xf32, #tpu.memory_space<vmem>>
      %dma_wait3A_52 = tpu.memref_squeeze %dma_wait3A_51 : memref<1x64x768xf32, #tpu.memory_space<vmem>> -> memref<64x768xf32, #tpu.memory_space<vmem>>
      %dma_wait3A_53 = arith.constant 0 : i32
      %dma_wait3A_54 = arith.constant 0 : i32
      %dma_wait3A_55 = tpu.memref_slice %arg2[%dma_wait3A_53, %dma_wait3A_54] : memref<65536x768xf32, #tpu.memory_space<hbm>> -> memref<64x768xf32, #tpu.memory_space<hbm>>
      %dma_wait3A_56 = arith.constant 0 : i32
      %dma_wait3A_57 = arith.constant 0 : i32
      %dma_wait3A_58 = tpu.memref_slice %arg10[%dma_wait3A, %dma_wait3A_56, %dma_wait3A_57] : memref<2x64x768xf32, #tpu.memory_space<vmem>> -> memref<1x64x768xf32, #tpu.memory_space<vmem>>
      %dma_wait3A_59 = tpu.memref_squeeze %dma_wait3A_58 : memref<1x64x768xf32, #tpu.memory_space<vmem>> -> memref<64x768xf32, #tpu.memory_space<vmem>>
      %dma_wait3A_60 = arith.constant 0 : i32
      %dma_wait3A_61 = arith.constant 0 : i32
      %dma_wait3A_62 = tpu.memref_slice %arg2[%dma_wait3A_60, %dma_wait3A_61] : memref<65536x768xf32, #tpu.memory_space<hbm>> -> memref<64x768xf32, #tpu.memory_space<hbm>>
      tpu.wait_dma2 semaphore(%arg11 : memref<!tpu.dma_semaphore, #tpu.memory_space<semaphore_mem>>) src(%dma_wait3A_62 : memref<64x768xf32, #tpu.memory_space<hbm>>) dst(%dma_wait3A_59 : memref<64x768xf32, #tpu.memory_space<vmem>>)
      %mul3A_63 = arith.constant 64 : i32
      %mul3A_64 = arith.muli %add3A_48, %mul3A_63 : i32
      %add3A_65 = arith.constant 0 : i32
      %add3A_66 = arith.addi %mul3A_64, %add3A_65 : i32
      %add3A_67 = arith.constant 0 : i32
      %add3A_68 = arith.addi %add3A_66, %add3A_67 : i32
      %get3A = arith.index_cast %add3A_68 : i32 to index
      %get3A_69 = tpu.vector_load %arg9[%get3A] {strides = array<i32>} : memref<528xi32, #tpu.memory_space<vmem>>, vector<16xi32>,
      tpu.vector_store_idx %arg8[%get3A_69], %broadcast_in_dim3A_10 {add = true} : memref<32xf32, #tpu.memory_space<vmem>>[vector<16xi32>], vector<16xf32>,
      %add3A_70 = arith.constant 16 : i32
      %add3A_71 = arith.addi %add3A_66, %add3A_70 : i32
      %get3A_72 = arith.index_cast %add3A_71 : i32 to index
      %get3A_73 = tpu.vector_load %arg9[%get3A_72] {strides = array<i32>} : memref<528xi32, #tpu.memory_space<vmem>>, vector<16xi32>,
      tpu.vector_store_idx %arg8[%get3A_73], %broadcast_in_dim3A_10 {add = true} : memref<32xf32, #tpu.memory_space<vmem>>[vector<16xi32>], vector<16xf32>,
      %add3A_74 = arith.constant 32 : i32
      %add3A_75 = arith.addi %add3A_66, %add3A_74 : i32
      %get3A_76 = arith.index_cast %add3A_75 : i32 to index
      %get3A_77 = tpu.vector_load %arg9[%get3A_76] {strides = array<i32>} : memref<528xi32, #tpu.memory_space<vmem>>, vector<16xi32>,
      tpu.vector_store_idx %arg8[%get3A_77], %broadcast_in_dim3A_10 {add = true} : memref<32xf32, #tpu.memory_space<vmem>>[vector<16xi32>], vector<16xf32>,
      %add3A_78 = arith.constant 48 : i32
      %add3A_79 = arith.addi %add3A_66, %add3A_78 : i32
      %get3A_80 = arith.index_cast %add3A_79 : i32 to index
      %get3A_81 = tpu.vector_load %arg9[%get3A_80] {strides = array<i32>} : memref<528xi32, #tpu.memory_space<vmem>>, vector<16xi32>,
      tpu.vector_store_idx %arg8[%get3A_81], %broadcast_in_dim3A_10 {add = true} : memref<32xf32, #tpu.memory_space<vmem>>[vector<16xi32>], vector<16xf32>,
      %scan3A_82 = arith.constant 0 : i32
      %scan3A_83 = arith.constant 64 : i32
      %scan3A_84 = arith.addi %scan3A_82, %scan3A_83 : i32
      %scan3A_85 = arith.constant 1 : i32
      scf.for %scan3A_142 = %scan3A_82 to %scan3A_84 step %scan3A_85  : i32 {
        %mul3A_143 = arith.constant 1 : i32
        %mul3A_144 = arith.muli %scan3A_142, %mul3A_143 : i32
        %add3A_145 = arith.constant 0 : i32
        %add3A_146 = arith.addi %add3A_145, %mul3A_144 : i32
        %add3A_147 = arith.addi %add3A_66, %add3A_146 : i32
        %get3A_148 = arith.index_cast %add3A_147 : i32 to index
        %get3A_149 = tpu.vector_load %arg9[%get3A_148] {strides = array<i32>} : memref<528xi32, #tpu.memory_space<vmem>>, vector<16xi32>,
        %slice3A = vector.extract_strided_slice %get3A_149 {offsets = [0], sizes = [1], strides = [1]} : vector<16xi32> to vector<1xi32>
        %squeeze3A = vector.extract %slice3A[0] : i32 from vector<1xi32>
        %mul3A_150 = arith.constant 768 : i32
        %mul3A_151 = arith.muli %squeeze3A, %mul3A_150 : i32
        %parallel_loop3A = arith.constant 0 : i32
        %parallel_loop3A_152 = arith.constant 768 : i32
        %parallel_loop3A_153 = arith.constant 16 : i32
        scf.for %parallel_loop3A_154 = %parallel_loop3A to %parallel_loop3A_152 step %parallel_loop3A_153  : i32 {
          %parallel_loop3A_155 = arith.constant 0 : i32
          %parallel_loop3A_156 = arith.index_cast %parallel_loop3A_155 : i32 to index
          %parallel_loop3A_157 = arith.index_cast %add3A_146 : i32 to index
          %parallel_loop3A_158 = arith.index_cast %parallel_loop3A_154 : i32 to index
          %parallel_loop3A_159 = tpu.vector_load %arg10[%parallel_loop3A_156, %parallel_loop3A_157, %parallel_loop3A_158] {strides = array<i32>} : memref<2x64x768xf32, #tpu.memory_space<vmem>>, vector<16xf32>,
          %parallel_loop3A_160 = arith.addi %mul3A_151, %parallel_loop3A_154 : i32
          %parallel_loop3A_161 = arith.index_cast %parallel_loop3A_160 : i32 to index
          %parallel_loop3A_162 = tpu.vector_load %arg7[%parallel_loop3A_161] {strides = array<i32>} : memref<24576xf32, #tpu.memory_space<vmem>>, vector<16xf32>,
          tpu.vector_store %arg7[%parallel_loop3A_161], %parallel_loop3A_159 {add = true, strides = array<i32>} : memref<24576xf32, #tpu.memory_space<vmem>>, vector<16xf32>,
        } {sc.loop_unroll_factor = 8 : i64, sc.parallel_access}
      }
      %scan3A_86 = arith.constant 64 : i32
      %add3A_87 = arith.constant 0 : i32
      %add3A_88 = arith.addi %add3A_48, %add3A_87 : i32
      %add3A_89 = arith.constant 2 : i32
      %add3A_90 = arith.addi %add3A_88, %add3A_89 : i32
      %lt3A = arith.constant 8 : i32
      %lt3A_91 = arith.cmpi slt, %add3A_90, %lt3A : i32
      %convert_element_type3A = arith.extui %lt3A_91 : i1 to i32
      %cond3A = arith.constant 0 : i32
      %cond3A_92 = arith.cmpi ne, %convert_element_type3A, %cond3A : i32
      scf.if %cond3A_92 {
        %add3A_142 = arith.constant 0 : i32
        %add3A_143 = arith.addi %add3A_48, %add3A_142 : i32
        %add3A_144 = arith.constant 2 : i32
        %add3A_145 = arith.addi %add3A_143, %add3A_144 : i32
        %mul3A_146 = arith.constant 64 : i32
        %mul3A_147 = arith.muli %add3A_145, %mul3A_146 : i32
        %add3A_148 = arith.addi %add3A_4, %mul3A_147 : i32
        %dma_start3A_149 = arith.constant 0 : i32
        %dma_start3A_150 = arith.constant 0 : i32
        %dma_start3A_151 = arith.constant 0 : i32
        %dma_start3A_152 = tpu.memref_slice %arg10[%dma_start3A_149, %dma_start3A_150, %dma_start3A_151] : memref<2x64x768xf32, #tpu.memory_space<vmem>> -> memref<1x64x768xf32, #tpu.memory_space<vmem>>
        %dma_start3A_153 = tpu.memref_squeeze %dma_start3A_152 : memref<1x64x768xf32, #tpu.memory_space<vmem>> -> memref<64x768xf32, #tpu.memory_space<vmem>>
        %dma_start3A_154 = arith.constant 0 : i32
        %dma_start3A_155 = tpu.memref_slice %arg2[%add3A_148, %dma_start3A_154] : memref<65536x768xf32, #tpu.memory_space<hbm>> -> memref<64x768xf32, #tpu.memory_space<hbm>>
        %dma_start3A_156 = arith.constant 0 : i32
        %dma_start3A_157 = arith.constant 0 : i32
        %dma_start3A_158 = tpu.memref_slice %arg10[%dma_start3A_149, %dma_start3A_156, %dma_start3A_157] : memref<2x64x768xf32, #tpu.memory_space<vmem>> -> memref<1x64x768xf32, #tpu.memory_space<vmem>>
        %dma_start3A_159 = tpu.memref_squeeze %dma_start3A_158 : memref<1x64x768xf32, #tpu.memory_space<vmem>> -> memref<64x768xf32, #tpu.memory_space<vmem>>
        %dma_start3A_160 = arith.constant 0 : i32
        %dma_start3A_161 = tpu.memref_slice %arg2[%add3A_148, %dma_start3A_160] : memref<65536x768xf32, #tpu.memory_space<hbm>> -> memref<64x768xf32, #tpu.memory_space<hbm>>
        tpu.enqueue_dma source(%dma_start3A_161 : memref<64x768xf32, #tpu.memory_space<hbm>>) target(%dma_start3A_159 : memref<64x768xf32, #tpu.memory_space<vmem>>) target_semaphore(%arg11 : memref<!tpu.dma_semaphore, #tpu.memory_space<semaphore_mem>>)
      } else {
      }
      %dma_wait3A_93 = arith.constant 1 : i32
      %dma_wait3A_94 = arith.constant 0 : i32
      %dma_wait3A_95 = arith.constant 0 : i32
      %dma_wait3A_96 = tpu.memref_slice %arg10[%dma_wait3A_93, %dma_wait3A_94, %dma_wait3A_95] : memref<2x64x768xf32, #tpu.memory_space<vmem>> -> memref<1x64x768xf32, #tpu.memory_space<vmem>>
      %dma_wait3A_97 = tpu.memref_squeeze %dma_wait3A_96 : memref<1x64x768xf32, #tpu.memory_space<vmem>> -> memref<64x768xf32, #tpu.memory_space<vmem>>
      %dma_wait3A_98 = arith.constant 0 : i32
      %dma_wait3A_99 = arith.constant 0 : i32
      %dma_wait3A_100 = tpu.memref_slice %arg2[%dma_wait3A_98, %dma_wait3A_99] : memref<65536x768xf32, #tpu.memory_space<hbm>> -> memref<64x768xf32, #tpu.memory_space<hbm>>
      %dma_wait3A_101 = arith.constant 0 : i32
      %dma_wait3A_102 = arith.constant 0 : i32
      %dma_wait3A_103 = tpu.memref_slice %arg10[%dma_wait3A_93, %dma_wait3A_101, %dma_wait3A_102] : memref<2x64x768xf32, #tpu.memory_space<vmem>> -> memref<1x64x768xf32, #tpu.memory_space<vmem>>
      %dma_wait3A_104 = tpu.memref_squeeze %dma_wait3A_103 : memref<1x64x768xf32, #tpu.memory_space<vmem>> -> memref<64x768xf32, #tpu.memory_space<vmem>>
      %dma_wait3A_105 = arith.constant 0 : i32
      %dma_wait3A_106 = arith.constant 0 : i32
      %dma_wait3A_107 = tpu.memref_slice %arg2[%dma_wait3A_105, %dma_wait3A_106] : memref<65536x768xf32, #tpu.memory_space<hbm>> -> memref<64x768xf32, #tpu.memory_space<hbm>>
      tpu.wait_dma2 semaphore(%arg11 : memref<!tpu.dma_semaphore, #tpu.memory_space<semaphore_mem>>) src(%dma_wait3A_107 : memref<64x768xf32, #tpu.memory_space<hbm>>) dst(%dma_wait3A_104 : memref<64x768xf32, #tpu.memory_space<vmem>>)
      %mul3A_108 = arith.constant 64 : i32
      %mul3A_109 = arith.muli %add3A_48, %mul3A_108 : i32
      %add3A_110 = arith.constant 64 : i32
      %add3A_111 = arith.addi %mul3A_109, %add3A_110 : i32
      %add3A_112 = arith.constant 0 : i32
      %add3A_113 = arith.addi %add3A_111, %add3A_112 : i32
      %get3A_114 = arith.index_cast %add3A_113 : i32 to index
      %get3A_115 = tpu.vector_load %arg9[%get3A_114] {strides = array<i32>} : memref<528xi32, #tpu.memory_space<vmem>>, vector<16xi32>,
      tpu.vector_store_idx %arg8[%get3A_115], %broadcast_in_dim3A_10 {add = true} : memref<32xf32, #tpu.memory_space<vmem>>[vector<16xi32>], vector<16xf32>,
      %add3A_116 = arith.constant 16 : i32
      %add3A_117 = arith.addi %add3A_111, %add3A_116 : i32
      %get3A_118 = arith.index_cast %add3A_117 : i32 to index
      %get3A_119 = tpu.vector_load %arg9[%get3A_118] {strides = array<i32>} : memref<528xi32, #tpu.memory_space<vmem>>, vector<16xi32>,
      tpu.vector_store_idx %arg8[%get3A_119], %broadcast_in_dim3A_10 {add = true} : memref<32xf32, #tpu.memory_space<vmem>>[vector<16xi32>], vector<16xf32>,
      %add3A_120 = arith.constant 32 : i32
      %add3A_121 = arith.addi %add3A_111, %add3A_120 : i32
      %get3A_122 = arith.index_cast %add3A_121 : i32 to index
      %get3A_123 = tpu.vector_load %arg9[%get3A_122] {strides = array<i32>} : memref<528xi32, #tpu.memory_space<vmem>>, vector<16xi32>,
      tpu.vector_store_idx %arg8[%get3A_123], %broadcast_in_dim3A_10 {add = true} : memref<32xf32, #tpu.memory_space<vmem>>[vector<16xi32>], vector<16xf32>,
      %add3A_124 = arith.constant 48 : i32
      %add3A_125 = arith.addi %add3A_111, %add3A_124 : i32
      %get3A_126 = arith.index_cast %add3A_125 : i32 to index
      %get3A_127 = tpu.vector_load %arg9[%get3A_126] {strides = array<i32>} : memref<528xi32, #tpu.memory_space<vmem>>, vector<16xi32>,
      tpu.vector_store_idx %arg8[%get3A_127], %broadcast_in_dim3A_10 {add = true} : memref<32xf32, #tpu.memory_space<vmem>>[vector<16xi32>], vector<16xf32>,
      %scan3A_128 = arith.constant 0 : i32
      %scan3A_129 = arith.constant 64 : i32
      %scan3A_130 = arith.addi %scan3A_128, %scan3A_129 : i32
      %scan3A_131 = arith.constant 1 : i32
      scf.for %scan3A_142 = %scan3A_128 to %scan3A_130 step %scan3A_131  : i32 {
        %mul3A_143 = arith.constant 1 : i32
        %mul3A_144 = arith.muli %scan3A_142, %mul3A_143 : i32
        %add3A_145 = arith.constant 0 : i32
        %add3A_146 = arith.addi %add3A_145, %mul3A_144 : i32
        %add3A_147 = arith.addi %add3A_111, %add3A_146 : i32
        %get3A_148 = arith.index_cast %add3A_147 : i32 to index
        %get3A_149 = tpu.vector_load %arg9[%get3A_148] {strides = array<i32>} : memref<528xi32, #tpu.memory_space<vmem>>, vector<16xi32>,
        %slice3A = vector.extract_strided_slice %get3A_149 {offsets = [0], sizes = [1], strides = [1]} : vector<16xi32> to vector<1xi32>
        %squeeze3A = vector.extract %slice3A[0] : i32 from vector<1xi32>
        %mul3A_150 = arith.constant 768 : i32
        %mul3A_151 = arith.muli %squeeze3A, %mul3A_150 : i32
        %parallel_loop3A = arith.constant 0 : i32
        %parallel_loop3A_152 = arith.constant 768 : i32
        %parallel_loop3A_153 = arith.constant 16 : i32
        scf.for %parallel_loop3A_154 = %parallel_loop3A to %parallel_loop3A_152 step %parallel_loop3A_153  : i32 {
          %parallel_loop3A_155 = arith.constant 1 : i32
          %parallel_loop3A_156 = arith.index_cast %parallel_loop3A_155 : i32 to index
          %parallel_loop3A_157 = arith.index_cast %add3A_146 : i32 to index
          %parallel_loop3A_158 = arith.index_cast %parallel_loop3A_154 : i32 to index
          %parallel_loop3A_159 = tpu.vector_load %arg10[%parallel_loop3A_156, %parallel_loop3A_157, %parallel_loop3A_158] {strides = array<i32>} : memref<2x64x768xf32, #tpu.memory_space<vmem>>, vector<16xf32>,
          %parallel_loop3A_160 = arith.addi %mul3A_151, %parallel_loop3A_154 : i32
          %parallel_loop3A_161 = arith.index_cast %parallel_loop3A_160 : i32 to index
          %parallel_loop3A_162 = tpu.vector_load %arg7[%parallel_loop3A_161] {strides = array<i32>} : memref<24576xf32, #tpu.memory_space<vmem>>, vector<16xf32>,
          tpu.vector_store %arg7[%parallel_loop3A_161], %parallel_loop3A_159 {add = true, strides = array<i32>} : memref<24576xf32, #tpu.memory_space<vmem>>, vector<16xf32>,
        } {sc.loop_unroll_factor = 8 : i64, sc.parallel_access}
      }
      %scan3A_132 = arith.constant 64 : i32
      %add3A_133 = arith.constant 1 : i32
      %add3A_134 = arith.addi %add3A_48, %add3A_133 : i32
      %add3A_135 = arith.constant 2 : i32
      %add3A_136 = arith.addi %add3A_134, %add3A_135 : i32
      %lt3A_137 = arith.constant 8 : i32
      %lt3A_138 = arith.cmpi slt, %add3A_136, %lt3A_137 : i32
      %convert_element_type3A_139 = arith.extui %lt3A_138 : i1 to i32
      %cond3A_140 = arith.constant 0 : i32
      %cond3A_141 = arith.cmpi ne, %convert_element_type3A_139, %cond3A_140 : i32
      scf.if %cond3A_141 {
        %add3A_142 = arith.constant 1 : i32
        %add3A_143 = arith.addi %add3A_48, %add3A_142 : i32
        %add3A_144 = arith.constant 2 : i32
        %add3A_145 = arith.addi %add3A_143, %add3A_144 : i32
        %mul3A_146 = arith.constant 64 : i32
        %mul3A_147 = arith.muli %add3A_145, %mul3A_146 : i32
        %add3A_148 = arith.addi %add3A_4, %mul3A_147 : i32
        %dma_start3A_149 = arith.constant 1 : i32
        %dma_start3A_150 = arith.constant 0 : i32
        %dma_start3A_151 = arith.constant 0 : i32
        %dma_start3A_152 = tpu.memref_slice %arg10[%dma_start3A_149, %dma_start3A_150, %dma_start3A_151] : memref<2x64x768xf32, #tpu.memory_space<vmem>> -> memref<1x64x768xf32, #tpu.memory_space<vmem>>
        %dma_start3A_153 = tpu.memref_squeeze %dma_start3A_152 : memref<1x64x768xf32, #tpu.memory_space<vmem>> -> memref<64x768xf32, #tpu.memory_space<vmem>>
        %dma_start3A_154 = arith.constant 0 : i32
        %dma_start3A_155 = tpu.memref_slice %arg2[%add3A_148, %dma_start3A_154] : memref<65536x768xf32, #tpu.memory_space<hbm>> -> memref<64x768xf32, #tpu.memory_space<hbm>>
        %dma_start3A_156 = arith.constant 0 : i32
        %dma_start3A_157 = arith.constant 0 : i32
        %dma_start3A_158 = tpu.memref_slice %arg10[%dma_start3A_149, %dma_start3A_156, %dma_start3A_157] : memref<2x64x768xf32, #tpu.memory_space<vmem>> -> memref<1x64x768xf32, #tpu.memory_space<vmem>>
        %dma_start3A_159 = tpu.memref_squeeze %dma_start3A_158 : memref<1x64x768xf32, #tpu.memory_space<vmem>> -> memref<64x768xf32, #tpu.memory_space<vmem>>
        %dma_start3A_160 = arith.constant 0 : i32
        %dma_start3A_161 = tpu.memref_slice %arg2[%add3A_148, %dma_start3A_160] : memref<65536x768xf32, #tpu.memory_space<hbm>> -> memref<64x768xf32, #tpu.memory_space<hbm>>
        tpu.enqueue_dma source(%dma_start3A_161 : memref<64x768xf32, #tpu.memory_space<hbm>>) target(%dma_start3A_159 : memref<64x768xf32, #tpu.memory_space<vmem>>) target_semaphore(%arg11 : memref<!tpu.dma_semaphore, #tpu.memory_space<semaphore_mem>>)
      } else {
      }
    }
    %scan3A_43 = arith.constant 4 : i32
    %barrier3A = arith.constant 0 : index
    tpu.barrier barrier_id(%barrier3A)
    "tpu.region"() ({
      %run_scoped3A = tpu.sem_alloc : memref<!tpu.dma_semaphore, #tpu.memory_space<semaphore_mem>>
      %dma_start3A_44 = arith.constant 0 : i32
      %dma_start3A_45 = tpu.memref_slice %arg5[%add3A, %dma_start3A_44] : memref<32x24576xf32, #tpu.memory_space<hbm>> -> memref<1x24576xf32, #tpu.memory_space<hbm>>
      %dma_start3A_46 = tpu.memref_squeeze %dma_start3A_45 : memref<1x24576xf32, #tpu.memory_space<hbm>> -> memref<24576xf32, #tpu.memory_space<hbm>>
      %dma_start3A_47 = arith.constant 0 : i32
      %dma_start3A_48 = tpu.memref_slice %arg5[%add3A, %dma_start3A_47] : memref<32x24576xf32, #tpu.memory_space<hbm>> -> memref<1x24576xf32, #tpu.memory_space<hbm>>
      %dma_start3A_49 = tpu.memref_squeeze %dma_start3A_48 : memref<1x24576xf32, #tpu.memory_space<hbm>> -> memref<24576xf32, #tpu.memory_space<hbm>>
      tpu.enqueue_dma source(%arg7 : memref<24576xf32, #tpu.memory_space<vmem>>) target(%dma_start3A_49 : memref<24576xf32, #tpu.memory_space<hbm>>) target_semaphore(%run_scoped3A : memref<!tpu.dma_semaphore, #tpu.memory_space<semaphore_mem>>)
      %dma_wait3A = arith.constant 0 : i32
      %dma_wait3A_50 = tpu.memref_slice %arg5[%add3A, %dma_wait3A] : memref<32x24576xf32, #tpu.memory_space<hbm>> -> memref<1x24576xf32, #tpu.memory_space<hbm>>
      %dma_wait3A_51 = tpu.memref_squeeze %dma_wait3A_50 : memref<1x24576xf32, #tpu.memory_space<hbm>> -> memref<24576xf32, #tpu.memory_space<hbm>>
      %dma_wait3A_52 = arith.constant 0 : i32
      %dma_wait3A_53 = tpu.memref_slice %arg5[%add3A, %dma_wait3A_52] : memref<32x24576xf32, #tpu.memory_space<hbm>> -> memref<1x24576xf32, #tpu.memory_space<hbm>>
      %dma_wait3A_54 = tpu.memref_squeeze %dma_wait3A_53 : memref<1x24576xf32, #tpu.memory_space<hbm>> -> memref<24576xf32, #tpu.memory_space<hbm>>
      tpu.wait_dma2 semaphore(%run_scoped3A : memref<!tpu.dma_semaphore, #tpu.memory_space<semaphore_mem>>) src(%arg7 : memref<24576xf32, #tpu.memory_space<vmem>>) dst(%dma_wait3A_54 : memref<24576xf32, #tpu.memory_space<hbm>>)
      tpu.yield
    }) : () -> ()
    "tpu.region"() ({
      %run_scoped3A = tpu.sem_alloc : memref<!tpu.dma_semaphore, #tpu.memory_space<semaphore_mem>>
      %dma_start3A_44 = arith.constant 0 : i32
      %dma_start3A_45 = tpu.memref_slice %arg6[%add3A, %dma_start3A_44] : memref<32x32xf32, #tpu.memory_space<hbm>> -> memref<1x32xf32, #tpu.memory_space<hbm>>
      %dma_start3A_46 = tpu.memref_squeeze %dma_start3A_45 : memref<1x32xf32, #tpu.memory_space<hbm>> -> memref<32xf32, #tpu.memory_space<hbm>>
      %dma_start3A_47 = arith.constant 0 : i32
      %dma_start3A_48 = tpu.memref_slice %arg6[%add3A, %dma_start3A_47] : memref<32x32xf32, #tpu.memory_space<hbm>> -> memref<1x32xf32, #tpu.memory_space<hbm>>
      %dma_start3A_49 = tpu.memref_squeeze %dma_start3A_48 : memref<1x32xf32, #tpu.memory_space<hbm>> -> memref<32xf32, #tpu.memory_space<hbm>>
      tpu.enqueue_dma source(%arg8 : memref<32xf32, #tpu.memory_space<vmem>>) target(%dma_start3A_49 : memref<32xf32, #tpu.memory_space<hbm>>) target_semaphore(%run_scoped3A : memref<!tpu.dma_semaphore, #tpu.memory_space<semaphore_mem>>)
      %dma_wait3A = arith.constant 0 : i32
      %dma_wait3A_50 = tpu.memref_slice %arg6[%add3A, %dma_wait3A] : memref<32x32xf32, #tpu.memory_space<hbm>> -> memref<1x32xf32, #tpu.memory_space<hbm>>
      %dma_wait3A_51 = tpu.memref_squeeze %dma_wait3A_50 : memref<1x32xf32, #tpu.memory_space<hbm>> -> memref<32xf32, #tpu.memory_space<hbm>>
      %dma_wait3A_52 = arith.constant 0 : i32
      %dma_wait3A_53 = tpu.memref_slice %arg6[%add3A, %dma_wait3A_52] : memref<32x32xf32, #tpu.memory_space<hbm>> -> memref<1x32xf32, #tpu.memory_space<hbm>>
      %dma_wait3A_54 = tpu.memref_squeeze %dma_wait3A_53 : memref<1x32xf32, #tpu.memory_space<hbm>> -> memref<32xf32, #tpu.memory_space<hbm>>
      tpu.wait_dma2 semaphore(%run_scoped3A : memref<!tpu.dma_semaphore, #tpu.memory_space<semaphore_mem>>) src(%arg8 : memref<32xf32, #tpu.memory_space<vmem>>) dst(%dma_wait3A_54 : memref<32xf32, #tpu.memory_space<hbm>>)
      tpu.yield
    }) : () -> ()
    return
  }
}

module attributes {stable_mosaic.version = 14 : i64} {
  func.func @_tc_body(%arg0: i32, %arg1: i32, %arg2: memref<1x1x1x2048xi32, #tpu.memory_space<vmem>>, %arg3: memref<1x2048x768xf32, #tpu.memory_space<vmem>>, %arg4: memref<1x32x768xf32, #tpu.memory_space<vmem>>, %arg5: memref<1x32x128xf32, #tpu.memory_space<vmem>>) attributes {dimension_semantics = [#tpu.dimension_semantics<arbitrary>, #tpu.dimension_semantics<arbitrary>], iteration_bounds = array<i64: 12, 2>, scalar_prefetch = 0 : i64, scratch_operands = 0 : i64, tpu.core_type = #tpu.core_type<tc>, window_params = [{transform_indices = @transform_0, window_bounds = array<i64: 1, 1, 1, 2048>}, {transform_indices = @transform_1, window_bounds = array<i64: 1, 2048, 768>}, {transform_indices = @transform_2, window_bounds = array<i64: 1, 32, 768>}, {transform_indices = @transform_3, window_bounds = array<i64: 1, 32, 128>}]} {
    %get3A = arith.constant 0 : index
    %get3A_0 = arith.constant 0 : index
    %get3A_1 = arith.constant 0 : index
    %get3A_2 = arith.constant 0 : index
    %get3A_3 = vector.load %arg2[%get3A, %get3A_0, %get3A_1, %get3A_2] : memref<1x1x1x2048xi32, #tpu.memory_space<vmem>>, vector<1x1x1x2048xi32>
    %get3A_4 = vector.shape_cast %get3A_3 : vector<1x1x1x2048xi32> to vector<1x2048xi32>
    %iota3A = tpu.iota {dimensions = array<i32: 0>} : vector<32x2048xi32>
    %eq3A = vector.broadcast %get3A_4 : vector<1x2048xi32> to vector<32x2048xi32>
    %eq3A_5 = arith.cmpi eq, %eq3A, %iota3A : vector<32x2048xi32>
    %convert_element_type3A = arith.extui %eq3A_5 : vector<32x2048xi1> to vector<32x2048xi32>
    %convert_element_type3A_6 = arith.sitofp %convert_element_type3A : vector<32x2048xi32> to vector<32x2048xf32>
    %get3A_7 = arith.constant 0 : index
    %get3A_8 = arith.constant 0 : index
    %get3A_9 = arith.constant 0 : index
    %get3A_10 = vector.load %arg3[%get3A_7, %get3A_8, %get3A_9] : memref<1x2048x768xf32, #tpu.memory_space<vmem>>, vector<1x2048x768xf32>
    %get3A_11 = vector.shape_cast %get3A_10 : vector<1x2048x768xf32> to vector<2048x768xf32>
    %dot_general3A = arith.constant dense<0.000000e+00> : vector<32x768xf32>
    %dot_general3A_12 = tpu.matmul %convert_element_type3A_6, %get3A_11, %dot_general3A {dimension_numbers = #tpu.dot_dimension_numbers<[1], [0], [0], [1], [0, 0, 1, 1], [], []>, transpose_lhs_hint = false} : vector<32x2048xf32>, vector<2048x768xf32>, vector<32x768xf32> -> vector<32x768xf32>
    %reduce_sum3A = arith.constant dense<0.000000e+00> : vector<32xf32>
    %reduce_sum3A_13 = vector.multi_reduction <add>, %convert_element_type3A_6, %reduce_sum3A [1] : vector<32x2048xf32> to vector<32xf32>
    %broadcast_in_dim3A = vector.shape_cast %reduce_sum3A_13 : vector<32xf32> to vector<32x1xf32>
    %broadcast_in_dim3A_14 = vector.shape_cast %broadcast_in_dim3A : vector<32x1xf32> to vector<32x1xf32>
    %broadcast_in_dim3A_15 = vector.broadcast %broadcast_in_dim3A_14 : vector<32x1xf32> to vector<32x128xf32>
    %eq3A_16 = arith.constant 0 : i32
    %eq3A_17 = arith.cmpi eq, %arg1, %eq3A_16 : i32
    %convert_element_type3A_18 = arith.extui %eq3A_17 : i1 to i32
    %cond3A = arith.constant 0 : i32
    %cond3A_19 = arith.cmpi ne, %convert_element_type3A_18, %cond3A : i32
    scf.if %cond3A_19 {
      %swap3A = arith.constant 0 : index
      %swap3A_24 = arith.constant 0 : index
      %swap3A_25 = arith.constant 0 : index
      %swap3A_26 = vector.load %arg4[%swap3A, %swap3A_24, %swap3A_25] : memref<1x32x768xf32, #tpu.memory_space<vmem>>, vector<1x32x768xf32>
      %swap3A_27 = vector.shape_cast %swap3A_26 : vector<1x32x768xf32> to vector<32x768xf32>
      %swap3A_28 = vector.shape_cast %dot_general3A_12 : vector<32x768xf32> to vector<1x32x768xf32>
      tpu.vector_store %arg4[%swap3A, %swap3A_24, %swap3A_25], %swap3A_28 {strides = array<i32>} : memref<1x32x768xf32, #tpu.memory_space<vmem>>, vector<1x32x768xf32>,
      %swap3A_29 = arith.constant 0 : index
      %swap3A_30 = arith.constant 0 : index
      %swap3A_31 = arith.constant 0 : index
      %swap3A_32 = vector.load %arg5[%swap3A_29, %swap3A_30, %swap3A_31] : memref<1x32x128xf32, #tpu.memory_space<vmem>>, vector<1x32x128xf32>
      %swap3A_33 = vector.shape_cast %swap3A_32 : vector<1x32x128xf32> to vector<32x128xf32>
      %swap3A_34 = vector.shape_cast %broadcast_in_dim3A_15 : vector<32x128xf32> to vector<1x32x128xf32>
      tpu.vector_store %arg5[%swap3A_29, %swap3A_30, %swap3A_31], %swap3A_34 {strides = array<i32>} : memref<1x32x128xf32, #tpu.memory_space<vmem>>, vector<1x32x128xf32>,
    } else {
    }
    %ne3A = arith.constant 0 : i32
    %ne3A_20 = arith.cmpi ne, %arg1, %ne3A : i32
    %convert_element_type3A_21 = arith.extui %ne3A_20 : i1 to i32
    %cond3A_22 = arith.constant 0 : i32
    %cond3A_23 = arith.cmpi ne, %convert_element_type3A_21, %cond3A_22 : i32
    scf.if %cond3A_23 {
      %get3A_24 = arith.constant 0 : index
      %get3A_25 = arith.constant 0 : index
      %get3A_26 = arith.constant 0 : index
      %get3A_27 = vector.load %arg4[%get3A_24, %get3A_25, %get3A_26] : memref<1x32x768xf32, #tpu.memory_space<vmem>>, vector<1x32x768xf32>
      %get3A_28 = vector.shape_cast %get3A_27 : vector<1x32x768xf32> to vector<32x768xf32>
      %add3A = arith.addf %get3A_28, %dot_general3A_12 : vector<32x768xf32>
      %swap3A = arith.constant 0 : index
      %swap3A_29 = arith.constant 0 : index
      %swap3A_30 = arith.constant 0 : index
      %swap3A_31 = vector.load %arg4[%swap3A, %swap3A_29, %swap3A_30] : memref<1x32x768xf32, #tpu.memory_space<vmem>>, vector<1x32x768xf32>
      %swap3A_32 = vector.shape_cast %swap3A_31 : vector<1x32x768xf32> to vector<32x768xf32>
      %swap3A_33 = vector.shape_cast %add3A : vector<32x768xf32> to vector<1x32x768xf32>
      tpu.vector_store %arg4[%swap3A, %swap3A_29, %swap3A_30], %swap3A_33 {strides = array<i32>} : memref<1x32x768xf32, #tpu.memory_space<vmem>>, vector<1x32x768xf32>,
      %get3A_34 = arith.constant 0 : index
      %get3A_35 = arith.constant 0 : index
      %get3A_36 = arith.constant 0 : index
      %get3A_37 = vector.load %arg5[%get3A_34, %get3A_35, %get3A_36] : memref<1x32x128xf32, #tpu.memory_space<vmem>>, vector<1x32x128xf32>
      %get3A_38 = vector.shape_cast %get3A_37 : vector<1x32x128xf32> to vector<32x128xf32>
      %add3A_39 = arith.addf %get3A_38, %broadcast_in_dim3A_15 : vector<32x128xf32>
      %swap3A_40 = arith.constant 0 : index
      %swap3A_41 = arith.constant 0 : index
      %swap3A_42 = arith.constant 0 : index
      %swap3A_43 = vector.load %arg5[%swap3A_40, %swap3A_41, %swap3A_42] : memref<1x32x128xf32, #tpu.memory_space<vmem>>, vector<1x32x128xf32>
      %swap3A_44 = vector.shape_cast %swap3A_43 : vector<1x32x128xf32> to vector<32x128xf32>
      %swap3A_45 = vector.shape_cast %add3A_39 : vector<32x128xf32> to vector<1x32x128xf32>
      tpu.vector_store %arg5[%swap3A_40, %swap3A_41, %swap3A_42], %swap3A_45 {strides = array<i32>} : memref<1x32x128xf32, #tpu.memory_space<vmem>>, vector<1x32x128xf32>,
    } else {
    }
    return
  }
  func.func @transform_0(%arg0: i32, %arg1: i32) -> (i32, i32, i32, i32) {
    %c0_i32 = arith.constant 0 : i32
    %c0_i32_0 = arith.constant 0 : i32
    %c0_i32_1 = arith.constant 0 : i32
    return %arg0, %arg1, %c0_i32, %c0_i32_0 : i32, i32, i32, i32
  }
  func.func @transform_1(%arg0: i32, %arg1: i32) -> (i32, i32, i32) {
    %c0_i32 = arith.constant 0 : i32
    %c0_i32_0 = arith.constant 0 : i32
    return %arg0, %arg1, %c0_i32 : i32, i32, i32
  }
  func.func @transform_2(%arg0: i32, %arg1: i32) -> (i32, i32, i32) {
    %c0_i32 = arith.constant 0 : i32
    %c0_i32_0 = arith.constant 0 : i32
    %c0_i32_1 = arith.constant 0 : i32
    return %arg0, %c0_i32, %c0_i32_0 : i32, i32, i32
  }
  func.func @transform_3(%arg0: i32, %arg1: i32) -> (i32, i32, i32) {
    %c0_i32 = arith.constant 0 : i32
    %c0_i32_0 = arith.constant 0 : i32
    %c0_i32_1 = arith.constant 0 : i32
    return %arg0, %c0_i32, %c0_i32_0 : i32, i32, i32
  }
}

module attributes {stable_mosaic.version = 14 : i64} {
  func.func @_fin_body(%arg0: memref<384x768xf32, #tpu.memory_space<vmem>>, %arg1: memref<384x128xf32, #tpu.memory_space<vmem>>, %arg2: memref<4x8x32x768xf32, #tpu.memory_space<vmem>>, %arg3: memref<128x8xf32, #tpu.memory_space<vmem>>, %arg4: memref<768x768xf32, #tpu.memory_space<vmem>>, %arg5: memref<1x768xf32, #tpu.memory_space<vmem>>, %arg6: memref<512x768xf32, #tpu.memory_space<vmem>>, %arg7: memref<512x128xf32, #tpu.memory_space<vmem>>) attributes {dimension_semantics = [], scalar_prefetch = 0 : i64, scratch_operands = 0 : i64, tpu.core_type = #tpu.core_type<tc>} {
    %get3A = arith.constant 0 : index
    %get3A_0 = arith.constant 0 : index
    %get3A_1 = arith.constant 0 : index
    %get3A_2 = arith.constant 0 : index
    %get3A_3 = vector.load %arg2[%get3A, %get3A_0, %get3A_1, %get3A_2] : memref<4x8x32x768xf32, #tpu.memory_space<vmem>>, vector<4x8x32x768xf32>
    %reduce_sum3A = arith.constant dense<0.000000e+00> : vector<4x32x768xf32>
    %reduce_sum3A_4 = vector.multi_reduction <add>, %get3A_3, %reduce_sum3A [1] : vector<4x8x32x768xf32> to vector<4x32x768xf32>
    %reshape3A = vector.shape_cast %reduce_sum3A_4 : vector<4x32x768xf32> to vector<128x768xf32>
    %get3A_5 = arith.constant 0 : index
    %get3A_6 = arith.constant 0 : index
    %get3A_7 = vector.load %arg3[%get3A_5, %get3A_6] : memref<128x8xf32, #tpu.memory_space<vmem>>, vector<128x8xf32>
    %reduce_sum3A_8 = arith.constant dense<0.000000e+00> : vector<128xf32>
    %reduce_sum3A_9 = vector.multi_reduction <add>, %get3A_7, %reduce_sum3A_8 [1] : vector<128x8xf32> to vector<128xf32>
    %broadcast_in_dim3A = vector.shape_cast %reduce_sum3A_9 : vector<128xf32> to vector<128x1xf32>
    %get3A_10 = arith.constant 0 : index
    %get3A_11 = arith.constant 0 : index
    %get3A_12 = vector.load %arg0[%get3A_10, %get3A_11] : memref<384x768xf32, #tpu.memory_space<vmem>>, vector<384x768xf32>
    %concatenate3A = tpu.concatenate %get3A_12, %reshape3A in 0 : vector<384x768xf32>, vector<128x768xf32> -> vector<512x768xf32>
    %get3A_13 = arith.constant 0 : index
    %get3A_14 = arith.constant 0 : index
    %get3A_15 = vector.load %arg1[%get3A_13, %get3A_14] : memref<384x128xf32, #tpu.memory_space<vmem>>, vector<384x128xf32>
    %slice3A = vector.extract_strided_slice %get3A_15 {offsets = [0, 0], sizes = [384, 1], strides = [1, 1]} : vector<384x128xf32> to vector<384x1xf32>
    %concatenate3A_16 = tpu.concatenate %slice3A, %broadcast_in_dim3A in 0 : vector<384x1xf32>, vector<128x1xf32> -> vector<512x1xf32>
    %gt3A = arith.constant 0.000000e+00 : f32
    %gt3A_17 = vector.broadcast %gt3A : f32 to vector<512x1xf32>
    %gt3A_18 = arith.cmpf ogt, %concatenate3A_16, %gt3A_17 : vector<512x1xf32>
    %convert_element_type3A = arith.extui %gt3A_18 : vector<512x1xi1> to vector<512x1xi32>
    %convert_element_type3A_19 = arith.sitofp %convert_element_type3A : vector<512x1xi32> to vector<512x1xf32>
    %max3A = arith.constant 1.000000e+00 : f32
    %max3A_20 = vector.broadcast %max3A : f32 to vector<512x1xf32>
    %max3A_21 = arith.maximumf %concatenate3A_16, %max3A_20 : vector<512x1xf32>
    %div3A = vector.broadcast %max3A_21 : vector<512x1xf32> to vector<512x768xf32>
    %div3A_22 = arith.divf %concatenate3A, %div3A : vector<512x768xf32>
    %get3A_23 = arith.constant 0 : index
    %get3A_24 = arith.constant 0 : index
    %get3A_25 = vector.load %arg4[%get3A_23, %get3A_24] : memref<768x768xf32, #tpu.memory_space<vmem>>, vector<768x768xf32>
    %dot_general3A = arith.constant dense<0.000000e+00> : vector<512x768xf32>
    %dot_general3A_26 = tpu.matmul %div3A_22, %get3A_25, %dot_general3A {dimension_numbers = #tpu.dot_dimension_numbers<[1], [0], [0], [1], [0, 0, 1, 1], [], []>, transpose_lhs_hint = false} : vector<512x768xf32>, vector<768x768xf32>, vector<512x768xf32> -> vector<512x768xf32>
    %get3A_27 = arith.constant 0 : index
    %get3A_28 = arith.constant 0 : index
    %get3A_29 = vector.load %arg5[%get3A_27, %get3A_28] : memref<1x768xf32, #tpu.memory_space<vmem>>, vector<1x768xf32>
    %add3A = vector.broadcast %get3A_29 : vector<1x768xf32> to vector<512x768xf32>
    %add3A_30 = arith.addf %dot_general3A_26, %add3A : vector<512x768xf32>
    %mul3A = vector.broadcast %convert_element_type3A_19 : vector<512x1xf32> to vector<512x768xf32>
    %mul3A_31 = arith.mulf %add3A_30, %mul3A : vector<512x768xf32>
    %swap3A = arith.constant 0 : index
    %swap3A_32 = arith.constant 0 : index
    %swap3A_33 = vector.load %arg6[%swap3A, %swap3A_32] : memref<512x768xf32, #tpu.memory_space<vmem>>, vector<512x768xf32>
    tpu.vector_store %arg6[%swap3A, %swap3A_32], %mul3A_31 {strides = array<i32>} : memref<512x768xf32, #tpu.memory_space<vmem>>, vector<512x768xf32>,
    %broadcast_in_dim3A_34 = vector.shape_cast %convert_element_type3A_19 : vector<512x1xf32> to vector<512x1xf32>
    %broadcast_in_dim3A_35 = vector.broadcast %broadcast_in_dim3A_34 : vector<512x1xf32> to vector<512x128xf32>
    %swap3A_36 = arith.constant 0 : index
    %swap3A_37 = arith.constant 0 : index
    %swap3A_38 = vector.load %arg7[%swap3A_36, %swap3A_37] : memref<512x128xf32, #tpu.memory_space<vmem>>, vector<512x128xf32>
    tpu.vector_store %arg7[%swap3A_36, %swap3A_37], %broadcast_in_dim3A_35 {strides = array<i32>} : memref<512x128xf32, #tpu.memory_space<vmem>>, vector<512x128xf32>,
    return
  }
}

</mosaic_0001>

<sc_bundles>
// kernel: kernel.5.cloned.1.call-start
scs
__scs_entry_jumppad:
0x0: {  	(pc) =	sbr.rel $0x88, $3  }
0x1: {  	(tag) =	ssettag $0x0;
	lr =	simm.s32 $0x1  }
0x2: {  	[smem:$0x3F9D] =	sst lr;
	_ =	strace $0xD0000000  }
0x3: {  	_ = 	snop  }
0x4: {  	_ = 	snop  }
0x5: {  	_ = 	snop  }
0x6: {  	_ = 	snop  }
0x7: {  	_ = 	snop  }
__scs_overlays_trampoline_lowered:
0x8: {  	[smem:$0x3FAC] =	sst s0  }
0x9: {  	[smem:$0x3FAD] =	sst s1  }
0xa: {  	[smem:$0x3FAE] =	sst s2  }
0xb: {  	[smem:$0x3FAF] =	sst s3  }
0xc: {  	[smem:$0x3FB0] =	sst s4  }
0xd: {  	[smem:$0x3FB1] =	sst s5  }
0xe: {  	[smem:$0x3FB2] =	sst s6  }
0xf: {  	[smem:$0x3FB3] =	sst s7  }
0x10: {  	[smem:$0x3FB4] =	sst s8  }
0x11: {  	[smem:$0x3FB5] =	sst s9;
	s0 =	simm.s32 @!p0 $0x0  }
0x12: {  	s1 =	sld [smem:$0x3F9B];
	s0 =	simm.s32 @p0 $0x1  }
0x13: {  	[smem:$0x3FB6] =	sst s0;
	s0 =	simm.s32 @!p1 $0x0  }
0x14: {  	s2 =	sld [smem:$0x3F9A];
	s0 =	simm.s32 @p1 $0x1  }
0x15: {  	[smem:$0x3FB7] =	sst s0;
	s0 =	simm.s32 @!p2 $0x0  }
0x16: {  	s3 =	sld [smem:$0x3FDB];
	s0 =	simm.s32 @p2 $0x1  }
0x17: {  	s4 =	simm.s32 $0x1BF5;
	[smem:$0x3FB9] =	sst s0  }
0x18: {  	s0 =	sld [smem:$0x3F9C];
	_ =	swait.ge [sflag:s4], $0x0  }
0x19: {  	s7 =	sld [smem:$0x3F9D]  }
0x1a: {  	s8 =	sadd.s32 $0xFFFFE003, lr  }
0x1b: {  	s9 =	sadd.s32 $0xFFFFFEF7, lr;
	s5 =	simm.s32 $0xFFFFFFFF;
	p2 =	slt.u32 s8, $0xFFFFF086  }
0x1c: {  	p1 =	slt.u32 s9, $0xF7A;
	s5 =	simm.s32 @!p2 $0x0  }
0x1d: {  	s5 =	simm.s32 @p1 $0x1;
	p0 =	seq.s32 s7, s2  }
0x1e: {  	s7 =	smul.u32 @!p0 $0xF7A, s2;
	p2 =	seq.s32 @!p0 s5, $0x0  }
0x1f: {  	s9 =	smul.u32 $0xF7A, s1;
	s8 =	simm.s32 @!p0 $0x1BF5;
	p2 =	por !p2, p0  }
0x20: {  	[sflag:s8] =	ssyncset.s32 @!p0 $0xFFFFF086;
	s6 =	sadd.s32 @!p0 s3, s7;
	s7 =	simm.s32 @!p0 $0x108  }
0x21: {  	s3 =	sadd.s32 s3, s9;
	s6 =	sadd.s32 @!p0 $0x88, s6;
	s7 =	simm.s32 @p2 $0x1082  }
0x22: {  	[simem:s7], [sflag:s8] =	dma.local @!p0 [hbm:s6], $0xF7A  }
0x23: {  	s9 =	sor.u32 $0xD0000000, s2;
	s6 =	simm.s32 $0x108;
	_ =	swait.ge @!p0 [sflag:s8], $0x0  }
0x24: {  	s3 =	sadd.s32 $0x88, s3;
	s6 =	simm.s32 @!p1 $0x1082;
	[sflag:s4] =	ssyncset.s32 $0xFFFFF086  }
0x25: {  	[simem:s6], [sflag:s4] =	dma.local [hbm:s3], $0xF7A  }
0x26: {  	[smem:$0x3F9D] =	sst s1;
	(tag) =	ssettag s2;
	_ =	strace s9  }
0x27: {  	s1 =	sld [smem:$0x3FAD]  }
0x28: {  	s2 =	sld [smem:$0x3FAE]  }
0x29: {  	s4 =	sld [smem:$0x3FB0]  }
0x2a: {  	p0 =	seq.s32 s5, $0x0;
	s5 =	sld [smem:$0x3FB1]  }
0x2b: {  	s6 =	sld [smem:$0x3FB2]  }
0x2c: {  	s7 =	sld [smem:$0x3FB3]  }
0x2d: {  	s3 =	simm.s32 $0x108;
	s8 =	sld [smem:$0x3FB4]  }
0x2e: {  	s3 =	simm.s32 @!p0 $0x1082;
	s9 =	sld [smem:$0x3FB5]  }
0x2f: {  	lr =	sadd.s32 s0, s3;
	s0 =	sld [smem:$0x3FAC]  }
0x30: {  	s3 =	sld [smem:$0x3FAF]  }
0x31: {  	[smem:$0x3FB8] =	sst s10  }
0x32: {  	s10 =	sld [smem:$0x3FB6];
	_ =	sdelay $0x3  }
0x33: {  	p0 =	seq.s32 s10, $0x1;
	s10 =	sld [smem:$0x3FB8];
	_ =	sdelay $0x3  }
0x34: {  	[smem:$0x3FB8] =	sst s10  }
0x35: {  	s10 =	sld [smem:$0x3FB7];
	_ =	sdelay $0x3  }
0x36: {  	p1 =	seq.s32 s10, $0x1;
	s10 =	sld [smem:$0x3FB8];
	_ =	sdelay $0x3  }
0x37: {  	[smem:$0x3FB8] =	sst s10  }
0x38: {  	s10 =	sld [smem:$0x3FB9]  }
0x39: {  	_ = 	snop;
	(pc) =	sbr.ind lr, $3  }
0x3a: {  	_ = 	snop  }
0x3b: {  	_ = 	snop  }
0x3c: {  	p2 =	seq.s32 s10, $0x1;
	s10 =	sld [smem:$0x3FB8]  }
0x3d: {  	_ =	shalt  }
0x3e: {  	_ =	shalt  }
0x3f: {  	_ =	shalt  }
0x40: {  	_ =	shalt  }
0x41: {  	_ =	shalt  }
0x42: {  	_ =	shalt  }
0x43: {  	_ =	shalt  }
0x44: {  	_ =	shalt  }
0x45: {  	_ =	shalt  }
0x46: {  	_ =	shalt  }
0x47: {  	_ =	shalt  }
0x48: {  	_ =	shalt  }
0x49: {  	_ =	shalt  }
0x4a: {  	_ =	shalt  }
0x4b: {  	_ =	shalt  }
0x4c: {  	_ =	shalt  }
0x4d: {  	_ =	shalt  }
0x4e: {  	_ =	shalt  }
0x4f: {  	_ =	shalt  }
0x50: {  	_ =	shalt  }
0x51: {  	_ =	shalt  }
0x52: {  	_ =	shalt  }
0x53: {  	_ =	shalt  }
0x54: {  	_ =	shalt  }
0x55: {  	_ =	shalt  }
0x56: {  	_ =	shalt  }
0x57: {  	_ =	shalt  }
0x58: {  	_ =	shalt  }
0x59: {  	_ =	shalt  }
0x5a: {  	_ =	shalt  }
0x5b: {  	_ =	shalt  }
0x5c: {  	_ =	shalt  }
0x5d: {  	_ =	shalt  }
0x5e: {  	_ =	shalt  }
0x5f: {  	_ =	shalt  }
0x60: {  	_ =	shalt  }
0x61: {  	_ =	shalt  }
0x62: {  	_ =	shalt  }
0x63: {  	_ =	shalt  }
0x64: {  	_ =	shalt  }
0x65: {  	_ =	shalt  }
0x66: {  	_ =	shalt  }
0x67: {  	_ =	shalt  }
0x68: {  	_ =	shalt  }
0x69: {  	_ =	shalt  }
0x6a: {  	_ =	shalt  }
0x6b: {  	_ =	shalt  }
0x6c: {  	_ =	shalt  }
0x6d: {  	_ =	shalt  }
0x6e: {  	_ =	shalt  }
0x6f: {  	_ =	shalt  }
0x70: {  	_ =	shalt  }
0x71: {  	_ =	shalt  }
0x72: {  	_ =	shalt  }
0x73: {  	_ =	shalt  }
0x74: {  	_ =	shalt  }
0x75: {  	_ =	shalt  }
0x76: {  	_ =	shalt  }
0x77: {  	_ =	shalt  }
0x78: {  	_ =	shalt  }
0x79: {  	_ =	shalt  }
0x7a: {  	_ =	shalt  }
0x7b: {  	_ =	shalt  }
0x7c: {  	_ =	shalt  }
0x7d: {  	_ =	shalt  }
0x7e: {  	_ =	shalt  }
0x7f: {  	_ =	shalt  }
0x80: {  	_ =	shalt  }
0x81: {  	_ =	shalt  }
0x82: {  	_ =	shalt  }
0x83: {  	_ =	shalt  }
0x84: {  	_ =	shalt  }
0x85: {  	_ =	shalt  }
0x86: {  	_ =	shalt  }
0x87: {  	_ =	shalt  }
.Lfunc_end0:
.L_simem_size_0:
called_computation_lowered:
.L_overlay_start_0:
0x88: {  	s2 =	sld [smem:$0x3FD9]  }
0x89: {  	s3 =	sld [smem:$0x3FFE];
	_ =	sdelay $0x1  }
0x8a: {  	s1 =	srdreg.scid  }
0x8b: {  	s0 =	sand.u32 $0x1, s1  }
0x8c: {  	s14 =	sshll.u32 s0, $0xA;
	s2 =	sadd.s32 s3, s2  }
0x8d: {  	s2 =	sadd.s32 s2, s14  }
0x8e: {  	[smem:$0x3FC4] =	sst s2  }
0x8f: {  	_ = 	snop  }
0x90: {  	s2 =	sld [smem:$0x3FD0];
	_ =	sdelay $0x2  }
0x91: {  	s4 =	simm.s32 $0xA;
	s5 =	simm.s32 $0x10;
	s15 =	sld [smem:$0x3FC9]  }
0x92: {  	[smem:s5], [sflag:s4] =	dma.local [hbm:s2], $0x1  }
0x93: {  	_ =	swait.eq [sflag:s4], $0x1  }
0x94: {  	[sflag:s4] =	ssyncset.done $0x0  }
0x95: {  	[sflag:s4] =	ssyncadd.s32 $0xFFFFFFFF  }
0x96: {  	s16 =	sld [smem:$0x10];
	(tm) =	ssettm $0x1  }
0x97: {  	s17 =	sld [smem:$0x3FFB];
	_ =	sdelay $0x3  }
0x98: {  	_ =	strace s17  }
0x99: {  	s4 =	sld [smem:$0x3FFC];
	_ =	sdelay $0x3  }
0x9a: {  	_ =	strace s4  }
0x9b: {  	s4 =	sld [smem:$0x3FFD];
	_ =	sdelay $0x3  }
0x9c: {  	_ =	strace s4  }
0x9d: {  	_ =	strace $0x8FFFFFFF  }
0x9e: {  	s18 =	sld [smem:$0x3FDB];
	_ =	sdelay $0x1  }
0x9f: {  	s19 =	simm.s32 $_scs_section_size  }
0xa0: {  	s6 =	simm.s32 $_size__tile_overlayer_lowered;
	s7 =	simm.s32 $_tile_overlayer_lowered  }
0xa1: {  	s22 =	simm.s32 $0x1BFF;
	s21 =	sshll.u32 s7, $0x1;
	s4 =	sadd.s32 s19, s18  }
0xa2: {  	s8 =	simm.s32 $0x0;
	s20 =	sshll.u32 s6, $0x1;
	s6 =	sadd.s32 s21, s4  }
0xa3: {  	[timem:s8], [sflag:s22] =	dma.local [hbm:s6], s20  }
0xa4: {  	_ =	swait.ge [sflag:s22], s20  }
0xa5: {  	s5 =	ssub.s32 $0x0, s20;
	[sflag:s22] =	ssyncset.done $0x0  }
0xa6: {  	[sflag:s22] =	ssyncadd.s32 s5;
	_ =	sdelay $0x1  }
0xa7: {  	s23 =	simm.s32 $0x1B8B  }
0xa8: {  	_ =	swait.ge [sflag:s23], $0x1  }
0xa9: {  	[sflag:s23] =	ssyncset.done $0x0  }
0xaa: {  	s25 =	simm.s32 $0x1B8E;
	s24 =	sld [smem:$0x3FFE];
	[sflag:s23] =	ssyncadd.s32 $0xFFFFFFFF  }
0xab: {  	s26 =	simm.s32 $execute0_lowered;
	[smem:$0x3FD2] =	sst s25  }
0xac: {  	s6 =	sshll.u32 s26, $0x1;
	_ =	strace $0x80000046;
	[dreg:$0x1] =	wrdreg $0xFFFFFFFF  }
0xad: {  	s28 =	simm.s32 $_size_execute0_lowered;
	s4 =	sadd.s32 s4, s6;
	[dreg:$0x0] =	wrdreg $0x0  }
0xae: {  	s6 =	sshll.u32 s28, $0x1;
	[dreg:$0x2] =	wrdreg s4  }
0xaf: {  	[dreg:$0x3] =	wrdreg s6  }
0xb0: {  	[dreg:$0x4] =	wrdreg $0xC0  }
0xb1: {  	_ =	task [dreg:s8], $0x5FFFF  }
0xb2: {  	[dreg:$0x1] =	wrdreg $0xFFFFFFFF  }
0xb3: {  	[dreg:$0x0] =	wrdreg $0x60  }
0xb4: {  	[dreg:$0x2] =	wrdreg s15  }
0xb5: {  	[dreg:$0x3] =	wrdreg s16  }
0xb6: {  	[dreg:$0x4] =	wrdreg s24  }
0xb7: {  	[dreg:$0x5] =	wrdreg $0x9  }
0xb8: {  	_ =	task.clear_ibuf [dreg:s8], $0x6FFFF;
	_ =	strace $0x90000046  }
0xb9: {  	s29 =	simm.s32 $0x9;
	_ =	strace $0x80000048  }
0xba: {  	_ =	swait.ge [sflag:s29], $0x1  }
0xbb: {  	[sflag:s29] =	ssyncadd.s32 $0xFFFFFFFF  }
0xbc: {  	_ =	strace $0x90000048  }
0xbd: {  	_ =	sfence  }
0xbe: {  	s30 =	sld [smem:$0x0];
	_ =	sdelay $0x2  }
0xbf: {  	s31 =	sshll.u32 s1, $0xD;
	s1 =	sshrl.u32 s1, $0x2  }
0xc0: {  	s3 =	sand.u32 $0x4000, s31;
	s1 =	sadd.s32 s1, s30  }
0xc1: {  	s0 =	sor.u32 s3, s0;
	s1 =	sshll.u32 s1, $0x11  }
0xc2: {  	s0 =	sor.u32 s1, s0  }
0xc3: {  	s0 =	sadd.s32 $0x8F2B, s0  }
0xc4: {  	[sflag:s0] =	ssyncadd.remote.s32 $0x1  }
0xc5: {  	_ =	sfence.sel $0xFFFF  }
0xc6: {  	[dreg:$0x0] =	wrdreg $0xFFFFFFFF;
	(pc) =	sbr.abs _section_cstart, $3  }
0xc7: {  	[dreg:$0x1] =	wrdreg $0xFFFFFFFF  }
0xc8: {  	_ =	task.clear_ibuf [dreg:s8], $0x2FFFF;
	_ =	strace $0x9FFFFFFF  }
0xc9: {  	(tm) =	ssettm $0x7FFFFFFF  }
tec
execute0_lowered:
.L_overlay_start_1:
0x0: {  	(tag) =	ssettag $0x1  }
0x1: {  	s1 =	rddreg [dreg:$0x0]  }
0x2: {  	s0 =	srdreg.scid;
	s6 =	rddreg [dreg:$0x1]  }
0x3: {  	s7 =	rddreg [dreg:$0x2];
	s3 =	simm.s32 $0x0;
	s16 =	simm.s32 $0x12300  }
0x4: {  	s17 =	simm.s32 $0x1;
	s18 =	simm.s32 $0x6000;
	s19 =	simm.s32 $0x80  }
0x5: {  	s20 =	simm.s32 $0x400;
	s21 =	simm.s32 $0x0;
	s5 =	sand.u32 $0x1, s0  }
0x6: {  	s0 =	stileid.u32;
	[smem:$0x7FF] =	sst s3;
	s2 =	sshll.u32 s5, $0x4  }
0x7: {  	s10 =	sshll.u32 s0, $0x7;
	s5 =	ssub.s32 $0x2, s5;
	s8 =	sor.u32 s0, s2  }
0x8: {  	s2 =	rddreg [dreg:$0x3];
	s10 =	sand.u32 $0x380, s10;
	_ =	strace $0x80000047  }
0x9: {  	s13 =	sshrl.u32 s5, $0x1;
	s9 =	sshrl.u32 s8, $0x3;
	s12 =	sshll.u32 s8, $0x6  }
0xa: {  	s14 =	smul.u32 $0xC000, s8;
	s13 =	ssub.s32 s5, s13;
	s30 =	sshll.u32 s8, $0x9  }
0xb: {  	s4 =	smul.u32 $0x30000, s9;
	s9 =	sshll.u32 s9, $0xA;
	s12 =	sor.u32 $0x1800, s12  }
0xc: {  	s8 =	sor.u32 $0xC080, s30;
	s9 =	sor.u32 s10, s9;
	s29 =	smul.u32 $0x300, s12  }
0xd: {  	s5 =	sadd.s32 s6, s12;
	s31 =	sadd.s32 s14, s1;
	s12 =	smax.u32 s13, $0x1  }
.Ltmp0:
0xe: {  	s13 =	simm.s32 $0x2;
	s14 =	simm.s32 $0x6080;
	(pc) =	sbr.rel .LBB2_1-.Ltmp0, $4  }
0xf: {  	s11 =	sor.u32 s10, s4;
	s4 =	sadd.s32 $0x1400, s7;
	s9 =	sshrl.u32 s9, $0x3  }
0x10: {  	s11 =	sshrl.u32 s11, $0x3;
	s15 =	sadd.s32 s9, s7;
	s6 =	sadd.s32 s1, s29  }
0x11: {  	s9 =	sor.u32 $0xC0C0, s30;
	s11 =	sadd.s32 s11, s7;
	s7 =	sadd.s32 $0x481800, s31  }
0x12: {  	v0 =	vimm.f32 $0.0e+00;
	v1 =	vimm.f32 $1.000000000e+00;
	s10 =	sadd.s32 $0x2000, s11;
	s11 =	sadd.s32 $0x1A000, s15;
	s15 =	simm.s32 $0x6300  }
.LBB2_12:
0x13: {  	[bflag:$0x0] =	sbarrier.arrive $0xFFFF  }
0x14: {  	[hbm4b:s10+s19] =	stream.strided.scatter [tilespmem:s3], [sflag:$0x2], $0x6000, s20, s19, $0x38;
	[tilespmem:$0x1E300] =	vst v63  }
0x15: {  	s21 =	sadd.s32 $0x1, s21;
	_ =	swait.ge [sflag:s13], $0x6000  }
0x16: {  	p0 =	sne.s32 s21, s12;
	[sflag:s13] =	ssyncset.done $0x0  }
.Ltmp1:
0x17: {  	[sflag:s13] =	ssyncadd.s32 $0xFFFFA000;
	(pc) =	sbr.rel @!p0 .LBB2_13-.Ltmp1, $4  }
0x18: {  	[hbm4b:s11+s3] =	stream.linear.scatter [tilespmem:s18], [sflag:$0x2], $0x80, $0x38;
	[tilespmem:$0x1E300] =	vst v63  }
0x19: {  	_ =	swait.ge [sflag:s13], $0x80  }
0x1a: {  	[sflag:s13] =	ssyncset.done $0x0  }
0x1b: {  	[sflag:s13] =	ssyncadd.s32 $0xFFFFFF80  }
.LBB2_1:
0x1c: {  	[tilespmem:s3], [sflag:$0x2] =	stream.linear.gather [hbm4b:s4+s3], $0x6000, $0x38;
	[tilespmem:$0x1E300] =	vst v63  }
0x1d: {  	_ =	swait.ge [sflag:s13], $0x6000  }
0x1e: {  	[sflag:s13] =	ssyncset.done $0x0  }
0x1f: {  	[sflag:s13] =	ssyncadd.s32 $0xFFFFA000  }
0x20: {  	[tilespmem:$0x6000] =	vst v0  }
0x21: {  	[tilespmem:$0x6010] =	vst v0  }
0x22: {  	[tilespmem:s14], [sflag:$0x2] =	stream.linear.gather [hbm4b:s5+s3], $0x200, $0x38;
	[tilespmem:$0x1E300] =	vst v63  }
0x23: {  	_ =	swait.ge [sflag:s13], $0x200  }
0x24: {  	[sflag:s13] =	ssyncset.done $0x0  }
0x25: {  	[sflag:s13] =	ssyncadd.s32 $0xFFFFFE00  }
0x26: {  	[tilespmem:s15], [sflag:$0x1] =	stream.linear.gather [hbm4b:s6+s3], $0xC000, $0x38;
	[tilespmem:$0x1E300] =	vst v63  }
0x27: {  	s22 =	simm.s32 $0x0  }
0x28: {  	[tilespmem:s16], [sflag:$0x1] =	stream.linear.gather [hbm4b:s7+s3], $0xC000, $0x38;
	[tilespmem:$0x1E300] =	vst v63  }
.LBB2_2:
0x29: {  	_ =	swait.ge [sflag:s17], $0xC000  }
0x2a: {  	s23 =	sshll.u32 s22, $0x7;
	[sflag:s17] =	ssyncset.done $0x0  }
0x2b: {  	s24 =	sand.u32 $0x3FFFFF80, s23;
	[sflag:s17] =	ssyncadd.s32 $0xFFFF4000  }
0x2c: {  	v2 =	vld [tilespmem:s24+$0x6080];
	_ =	sdelay $0x7  }
0x2d: {  	[tilespmem:v2+s18+$0x0] =	vst.idx.add.f32.msk $0xffff, v1  }
0x2e: {  	v2 =	vld [tilespmem:s24+$0x6090];
	_ =	sdelay $0x7  }
0x2f: {  	[tilespmem:v2+s18+$0x0] =	vst.idx.add.f32.msk $0xffff, v1  }
0x30: {  	v2 =	vld [tilespmem:s24+$0x60A0];
	_ =	sdelay $0x7  }
0x31: {  	[tilespmem:v2+s18+$0x0] =	vst.idx.add.f32.msk $0xffff, v1  }
0x32: {  	v2 =	vld [tilespmem:s24+$0x60B0];
	_ =	sdelay $0x6  }
0x33: {  	s26 =	sadd.s32 $0x6080, s23  }
0x34: {  	s25 =	simm.s32 $0x0;
	[tilespmem:v2+s18+$0x0] =	vst.idx.add.f32.msk $0xffff, v1;
	v2 =	vmov s26;
	s26 =	simm.s32 $0x0  }
.LBB2_3:
0x35: {  	_ =	sdelay $0x3  }
0x36: {  	v3 =	vld.idx.msk [tilespmem:v2+s26+$0x0 ss:$0x1], $0xffff;
	_ =	sdelay $0x4  }
0x37: {  	(v2sf) =	vpush v3, $0x0;
	_ =	sdelay $0x6  }
0x38: {  	s28 =	sshrl.u32 s26, $0x3  }
0x39: {  	s29 =	sand.u32 $0x7, s25;
	s28 =	smul.u32 $0x6000, s28  }
0x3a: {  	s29 =	sshll.u32 s29, $0x9  }
0x3b: {  	s28 =	sor.u32 s29, s28  }
0x3c: {  	s28 =	sshra.s32 s28, $0x2  }
0x3d: {  	s30 =	sadd.s32 $0x6340, s28  }
0x3e: {  	v3 =	vld [tilespmem:s30+$0x30]  }
0x3f: {  	v4 =	vld [tilespmem:s30+$0xFFFFFFD0]  }
0x40: {  	v5 =	vld [tilespmem:s30+$0xFFFFFFE0];
	s28 =	spop (v2sf)  }
0x41: {  	v6 =	vld [tilespmem:s30+$0xFFFFFFF0];
	s28 =	smul.u32 $0xC00, s28  }
0x42: {  	v7 =	vld [tilespmem:s30+$0x0]  }
0x43: {  	v8 =	vld [tilespmem:s30+$0x20];
	s28 =	sshra.s32 s28, $0x2  }
0x44: {  	v9 =	vld [tilespmem:s30+$0xFFFFFFC0];
	s28 =	sor.u32 $0x70, s28  }
0x45: {  	[tilespmem:s28+$0x0] =	vst.add.f32.msk $0xffff, v3  }
0x46: {  	v3 =	vld [tilespmem:s30+$0x10]  }
0x47: {  	[tilespmem:s28+$0xFFFFFFA0] =	vst.add.f32.msk $0xffff, v4  }
0x48: {  	[tilespmem:s28+$0xFFFFFFB0] =	vst.add.f32.msk $0xffff, v5  }
0x49: {  	[tilespmem:s28+$0xFFFFFFC0] =	vst.add.f32.msk $0xffff, v6  }
0x4a: {  	[tilespmem:s28+$0xFFFFFFD0] =	vst.add.f32.msk $0xffff, v7  }
0x4b: {  	[tilespmem:s28+$0xFFFFFF90] =	vst.add.f32.msk $0xffff, v9  }
0x4c: {  	[tilespmem:s28+$0xFFFFFFF0] =	vst.add.f32.msk $0xffff, v8  }
0x4d: {  	s29 =	simm.s32 $0x0;
	s30 =	sadd.s32 $0x400, s30;
	[tilespmem:s28+$0xFFFFFFE0] =	vst.add.f32.msk $0xffff, v3  }
.LBB2_4:
0x4e: {  	v3 =	vld [tilespmem:s30+$0x30];
	s29 =	sadd.s32 $0x80, s29  }
0x4f: {  	v4 =	vld [tilespmem:s30+$0xFFFFFFD0];
	p0 =	slt.u32 s29, $0x280  }
0x50: {  	v5 =	vld [tilespmem:s30+$0xFFFFFFE0]  }
0x51: {  	v6 =	vld [tilespmem:s30+$0xFFFFFFF0]  }
0x52: {  	s28 =	sadd.s32 $0x80, s28;
	v7 =	vld [tilespmem:s30+$0x0]  }
0x53: {  	[tilespmem:s28+$0x0] =	vst.add.f32.msk $0xffff, v3  }
0x54: {  	v3 =	vld [tilespmem:s30+$0x10]  }
0x55: {  	v8 =	vld [tilespmem:s30+$0x20]  }
0x56: {  	v9 =	vld [tilespmem:s30+$0xFFFFFFC0]  }
0x57: {  	[tilespmem:s28+$0xFFFFFFA0] =	vst.add.f32.msk $0xffff, v4  }
0x58: {  	[tilespmem:s28+$0xFFFFFFB0] =	vst.add.f32.msk $0xffff, v5  }
.Ltmp2:
0x59: {  	[tilespmem:s28+$0xFFFFFFC0] =	vst.add.f32.msk $0xffff, v6;
	(pc) =	sbr.rel @p0 .LBB2_4-.Ltmp2, $4  }
0x5a: {  	[tilespmem:s28+$0xFFFFFFD0] =	vst.add.f32.msk $0xffff, v7  }
0x5b: {  	[tilespmem:s28+$0xFFFFFF90] =	vst.add.f32.msk $0xffff, v9  }
0x5c: {  	[tilespmem:s28+$0xFFFFFFE0] =	vst.add.f32.msk $0xffff, v3  }
0x5d: {  	s30 =	sadd.s32 $0x400, s30;
	[tilespmem:s28+$0xFFFFFFF0] =	vst.add.f32.msk $0xffff, v8  }
0x5e: {  	s26 =	sadd.s32 $0x1, s26  }
0x5f: {  	p0 =	sne.s32 s26, $0x40  }
.Ltmp3:
0x60: {  	_ = 	snop;
	(pc) =	sbr.rel @p0 .LBB2_3-.Ltmp3, $2  }
0x61: {  	_ =	sdelay $0x2  }
0x62: {  	s25 =	sadd.s32 $0x1, s25  }
0x63: {  	p0 =	seq.s32 s22, $0x3  }
0x64: {  	s25 =	sadd.s32 @!p0 s23, s8  }
0x65: {  	s25 =	sshrl.u32 @!p0 s25, $0x3  }
0x66: {  	s25 =	smul.u32 @!p0 $0x300, s25;
	_ =	sdelay $0x1  }
0x67: {  	s26 =	simm.s32 @!p0 $0x0;
	s28 =	simm.s32 @!p0 $0x6300;
	s25 =	sadd.s32 @!p0 s1, s25  }
0x68: {  	[tilespmem:s28], [sflag:$0x1] =	stream.linear.gather @!p0 [hbm4b:s25+s26], $0xC000, $0x38;
	[tilespmem:$0x1E300] =	vst v63  }
0x69: {  	_ =	swait.ge [sflag:s17], $0xC000  }
0x6a: {  	[sflag:s17] =	ssyncset.done $0x0  }
0x6b: {  	[sflag:s17] =	ssyncadd.s32 $0xFFFF4000  }
0x6c: {  	v2 =	vld [tilespmem:s24+$0x60C0];
	_ =	sdelay $0x7  }
0x6d: {  	[tilespmem:v2+s18+$0x0] =	vst.idx.add.f32.msk $0xffff, v1  }
0x6e: {  	v2 =	vld [tilespmem:s24+$0x60D0];
	_ =	sdelay $0x7  }
0x6f: {  	[tilespmem:v2+s18+$0x0] =	vst.idx.add.f32.msk $0xffff, v1  }
0x70: {  	v2 =	vld [tilespmem:s24+$0x60E0];
	_ =	sdelay $0x7  }
0x71: {  	[tilespmem:v2+s18+$0x0] =	vst.idx.add.f32.msk $0xffff, v1  }
0x72: {  	v2 =	vld [tilespmem:s24+$0x60F0];
	_ =	sdelay $0x6  }
0x73: {  	s31 =	sadd.s32 $0x60C0, s23  }
0x74: {  	s25 =	simm.s32 $0x0;
	s24 =	simm.s32 $0x0;
	[tilespmem:v2+s18+$0x0] =	vst.idx.add.f32.msk $0xffff, v1;
	v2 =	vmov s31  }
.LBB2_7:
0x75: {  	_ =	sdelay $0x3  }
0x76: {  	v3 =	vld.idx.msk [tilespmem:v2+s25+$0x0 ss:$0x1], $0xffff;
	_ =	sdelay $0x4  }
0x77: {  	(v2sf) =	vpush v3, $0x0;
	_ =	sdelay $0x6  }
0x78: {  	s26 =	sshrl.u32 s25, $0x3  }
0x79: {  	s28 =	sand.u32 $0x7, s24;
	s26 =	smul.u32 $0x6000, s26  }
0x7a: {  	s28 =	sshll.u32 s28, $0x9  }
0x7b: {  	s26 =	sor.u32 s28, s26  }
0x7c: {  	s26 =	sshra.s32 s26, $0x2  }
0x7d: {  	s29 =	sadd.s32 $0x12300, s26  }
0x7e: {  	v3 =	vld [tilespmem:s29+$0x70]  }
0x7f: {  	v4 =	vld [tilespmem:s29+$0x10]  }
0x80: {  	v5 =	vld [tilespmem:s29+$0x20];
	s31 =	spop (v2sf)  }
0x81: {  	v6 =	vld [tilespmem:s29+$0x30];
	s26 =	smul.u32 $0xC00, s31  }
0x82: {  	v7 =	vld [tilespmem:s29+$0x40]  }
0x83: {  	v8 =	vld [tilespmem:s29+$0x60];
	s26 =	sshra.s32 s26, $0x2  }
0x84: {  	v9 =	vld [tilespmem:s29+$0x0];
	s26 =	sor.u32 $0x70, s26  }
0x85: {  	[tilespmem:s26+$0x0] =	vst.add.f32.msk $0xffff, v3  }
0x86: {  	v3 =	vld [tilespmem:s29+$0x50]  }
0x87: {  	[tilespmem:s26+$0xFFFFFFA0] =	vst.add.f32.msk $0xffff, v4  }
0x88: {  	[tilespmem:s26+$0xFFFFFFB0] =	vst.add.f32.msk $0xffff, v5  }
0x89: {  	[tilespmem:s26+$0xFFFFFFC0] =	vst.add.f32.msk $0xffff, v6  }
0x8a: {  	[tilespmem:s26+$0xFFFFFFD0] =	vst.add.f32.msk $0xffff, v7  }
0x8b: {  	[tilespmem:s26+$0xFFFFFF90] =	vst.add.f32.msk $0xffff, v9  }
0x8c: {  	[tilespmem:s26+$0xFFFFFFF0] =	vst.add.f32.msk $0xffff, v8  }
0x8d: {  	s28 =	simm.s32 $0x0;
	s29 =	sadd.s32 $0x400, s29;
	[tilespmem:s26+$0xFFFFFFE0] =	vst.add.f32.msk $0xffff, v3  }
.LBB2_8:
0x8e: {  	v3 =	vld [tilespmem:s29+$0x70];
	s28 =	sadd.s32 $0x80, s28  }
0x8f: {  	v4 =	vld [tilespmem:s29+$0x10];
	p1 =	slt.u32 s28, $0x280  }
0x90: {  	v5 =	vld [tilespmem:s29+$0x20]  }
0x91: {  	v6 =	vld [tilespmem:s29+$0x30]  }
0x92: {  	s26 =	sadd.s32 $0x80, s26;
	v7 =	vld [tilespmem:s29+$0x40]  }
0x93: {  	[tilespmem:s26+$0x0] =	vst.add.f32.msk $0xffff, v3  }
0x94: {  	v3 =	vld [tilespmem:s29+$0x50]  }
0x95: {  	v8 =	vld [tilespmem:s29+$0x60]  }
0x96: {  	v9 =	vld [tilespmem:s29+$0x0]  }
0x97: {  	[tilespmem:s26+$0xFFFFFFA0] =	vst.add.f32.msk $0xffff, v4  }
0x98: {  	[tilespmem:s26+$0xFFFFFFB0] =	vst.add.f32.msk $0xffff, v5  }
.Ltmp4:
0x99: {  	[tilespmem:s26+$0xFFFFFFC0] =	vst.add.f32.msk $0xffff, v6;
	(pc) =	sbr.rel @p1 .LBB2_8-.Ltmp4, $4  }
0x9a: {  	[tilespmem:s26+$0xFFFFFFD0] =	vst.add.f32.msk $0xffff, v7  }
0x9b: {  	[tilespmem:s26+$0xFFFFFF90] =	vst.add.f32.msk $0xffff, v9  }
0x9c: {  	[tilespmem:s26+$0xFFFFFFE0] =	vst.add.f32.msk $0xffff, v3  }
0x9d: {  	s29 =	sadd.s32 $0x400, s29;
	[tilespmem:s26+$0xFFFFFFF0] =	vst.add.f32.msk $0xffff, v8  }
0x9e: {  	s25 =	sadd.s32 $0x1, s25  }
0x9f: {  	p1 =	sne.s32 s25, $0x40  }
.Ltmp5:
0xa0: {  	_ = 	snop;
	(pc) =	sbr.rel @p1 .LBB2_7-.Ltmp5, $2  }
0xa1: {  	_ =	sdelay $0x2  }
0xa2: {  	s24 =	sadd.s32 $0x1, s24  }
.Ltmp6:
0xa3: {  	(pc) =	sbr.rel @p0 .LBB2_12-.Ltmp6, $1  }
0xa4: {  	_ =	sdelay $0x3  }
0xa5: {  	s23 =	sadd.s32 s23, s9  }
.Ltmp7:
0xa6: {  	s23 =	sshrl.u32 s23, $0x3;
	(pc) =	sbr.rel .LBB2_2-.Ltmp7, $3  }
0xa7: {  	s23 =	smul.u32 $0x300, s23;
	_ =	sdelay $0x1  }
0xa8: {  	s22 =	sadd.s32 $0x1, s22;
	s23 =	sadd.s32 s1, s23  }
0xa9: {  	[tilespmem:s16], [sflag:$0x1] =	stream.linear.gather [hbm4b:s23+s3], $0xC000, $0x38;
	[tilespmem:$0x1E300] =	vst v63  }
.LBB2_13:
0xaa: {  	_ =	sfence.sel $0x180000  }
0xab: {  	[bflag:$0x0] =	sbarrier.arrive $0xFFFF  }
0xac: {  	p0 =	sne.s32 s0, $0x0;
	_ =	strace $0x90000047  }
0xad: {  	s0 =	sadd.s32 @!p0 $0x100000, s2;
	[bflag:$0x2] =	sbarrier.arrive $0xFFFF  }
0xae: {  	[sflag:s0] =	ssyncadd.tile.s32 @!p0 $0x1;
	_ =	shalt  }
.Lfunc_end2:
_tile_overlayer_lowered:
.L_overlay_start_2:
0xaf: {  	(tag) =	ssettag $0x2  }
0xb0: {  	s0 =	rddreg [dreg:$0x0];
	s2 =	stileid.u32  }
0xb1: {  	s1 =	rddreg [dreg:$0x1];
	p0 =	sne.s32 s2, $0x0  }
0xb2: {  	s3 =	rddreg [dreg:$0x2];
	[bflag:$0x3] =	sbarrier.arrive $0xFFFF;
	s2 =	simm.s32 @!p0 $0x1C02  }
0xb3: {  	[timem:s3], [sflag:s2] =	dma.local @!p0 [hbm:s0], s1  }
0xb4: {  	s0 =	simm.s32 @!p0 $0x2  }
0xb5: {  	_ =	swait.ge @!p0 [sflag:s0], s1  }
0xb6: {  	s1 =	ssub.s32 @!p0 $0x0, s1;
	[sflag:s0] =	ssyncset.done @!p0 $0x0  }
0xb7: {  	[sflag:s0] =	ssyncadd.s32 @!p0 s1  }
0xb8: {  	[bflag:$0x3] =	sbarrier.arrive $0xFFFF  }
0xb9: {  	_ =	shalt  }

</sc_bundles>
